<compile_context>
chip_gen: v7x
topology: tpu7x:2x2x1
jax: 0.10.2.dev20260603
libtpu: 0.0.44.dev20260713+nightly
codegen_flags: <defaults>
</compile_context>

<pallas_src>
import functools

import jax
import jax.numpy as jnp
from jax import lax
from jax.experimental import pallas as pl
from jax.experimental.pallas import tpu as pltpu
from jax.experimental.pallas import tpu_sc as plsc

N = 10000
E = 320000
D = 128
C = 5
B = 100000

NC, NS = 2, 16
NW = NC * NS
DE = 144
DD = DE - D
PADROWS = 128

ECH = 128
SEGC = 8
NSEG = 10
ENCH = SEGC * NSEG
EPT = ENCH * ECH
E_PAD = EPT * NW

ROWS_PT = N // NS

BCH = 128
BNCH = 25
BPT = BNCH * BCH
B_PAD = BPT * NW


def _sage_aggregate(xe, src4, dst4, zrows):
    mesh = plsc.VectorSubcoreMesh(core_axis_name="c", subcore_axis_name="s")

    @functools.partial(
        pl.kernel,
        out_type=(
            jax.ShapeDtypeStruct((NC, N, D), jnp.float32),
            jax.ShapeDtypeStruct((NC, N, DD), jnp.float32),
        ),
        mesh=mesh,
        scratch_types=[
            pltpu.VMEM((2, SEGC, ECH), jnp.int32),
            pltpu.VMEM((2, SEGC, ECH), jnp.int32),
            pltpu.VMEM((ECH, DE), jnp.float32),
            pltpu.VMEM((ECH, DE), jnp.float32),
            pltpu.VMEM_SHARED((N, DE), jnp.float32),
            pltpu.SemaphoreType.DMA,
            pltpu.SemaphoreType.DMA,
            pltpu.SemaphoreType.DMA,
            pltpu.SemaphoreType.DMA,
            pltpu.SemaphoreType.DMA,
        ],
        compiler_params=pltpu.CompilerParams(use_tc_tiling_on_sc=False),
    )
    def k(xe_hbm, src_hbm, dst_hbm, z_hbm, feat_hbm, deg_hbm, sseg, dseg,
          rows0, rows1, acc, gs0, gs1, ss0, ss1, sg):
        cid = lax.axis_index("c")
        sid = lax.axis_index("s")
        wid = sid * NC + cid
        pltpu.sync_copy(z_hbm, acc.at[pl.ds(sid * ROWS_PT, ROWS_PT)])
        pltpu.sync_copy(src_hbm.at[wid, 0], sseg.at[0])
        pltpu.sync_copy(dst_hbm.at[wid, 0], dseg.at[0])
        pltpu.async_copy(src_hbm.at[wid, 1], sseg.at[1], sg)
        pltpu.async_copy(dst_hbm.at[wid, 1], dseg.at[1], sg)
        plsc.subcore_barrier()

        def gather(sb, l, rows, sem):
            pltpu.async_copy(xe_hbm.at[sseg.at[sb, l]], rows, sem)

        def scatter(sb, l, rows, sem):
            pltpu.async_copy(rows, acc.at[dseg.at[sb, l]], sem, add=True)

        def wait_gather(rows, sem):
            pltpu.make_async_copy(xe_hbm.at[sseg.at[0, 0]], rows, sem).wait()

        def wait_scatter(rows, sem):
            pltpu.make_async_copy(rows, acc.at[dseg.at[0, 0]], sem).wait()

        gather(0, 0, rows0, gs0)
        gather(0, 1, rows1, gs1)

        @pl.loop(0, ENCH // 2 - 1)
        def _(i):
            s_cur = i // 4
            l0 = 2 * (i % 4)
            sb = lax.rem(s_cur, 2)
            s_nxt = (i + 1) // 4
            l2 = 2 * lax.rem(i + 1, 4)
            sb2 = lax.rem(s_nxt, 2)
            wait_gather(rows0, gs0)
            scatter(sb, l0, rows0, ss0)
            wait_gather(rows1, gs1)
            scatter(sb, l0 + 1, rows1, ss1)

            @pl.when(lax.rem(i, 4) == 3)
            def _():
                pltpu.make_async_copy(src_hbm.at[wid, 0], sseg.at[0], sg).wait()
                pltpu.make_async_copy(dst_hbm.at[wid, 0], dseg.at[0], sg).wait()

            wait_scatter(rows0, ss0)
            gather(sb2, l2, rows0, gs0)
            wait_scatter(rows1, ss1)
            gather(sb2, l2 + 1, rows1, gs1)

            @pl.when((lax.rem(i, 4) == 0) & (i > 0) & (s_cur < NSEG - 1))
            def _():
                nb = lax.rem(s_cur + 1, 2)
                pltpu.async_copy(src_hbm.at[wid, s_cur + 1], sseg.at[nb], sg)
                pltpu.async_copy(dst_hbm.at[wid, s_cur + 1], dseg.at[nb], sg)

        sb = lax.rem(NSEG - 1, 2)
        wait_gather(rows0, gs0)
        scatter(sb, SEGC - 2, rows0, ss0)
        wait_gather(rows1, gs1)
        scatter(sb, SEGC - 1, rows1, ss1)
        wait_scatter(rows0, ss0)
        wait_scatter(rows1, ss1)

        plsc.subcore_barrier()
        r0 = sid * ROWS_PT
        pltpu.sync_copy(acc.at[pl.ds(r0, ROWS_PT), pl.ds(0, D)],
                        feat_hbm.at[cid].at[pl.ds(r0, ROWS_PT)])
        pltpu.sync_copy(acc.at[pl.ds(r0, ROWS_PT), pl.ds(D, DD)],
                        deg_hbm.at[cid].at[pl.ds(r0, ROWS_PT)])

    return k(xe, src4, dst4, zrows)


def _encode_body(f_ref, d_ref, x_ref, w_ref, o_ref):
    agg = f_ref[0] + f_ref[1]
    deg = jnp.maximum(d_ref[0, :, 0:1] + d_ref[1, :, 0:1], 1.0)
    mean = agg / deg
    h = (jnp.dot(x_ref[...], w_ref[:D, :], preferred_element_type=jnp.float32)
         + jnp.dot(mean, w_ref[D:, :], preferred_element_type=jnp.float32))
    o_ref[...] = jnp.maximum(h, 0.0)


def _encode(feat, degs, x, W1):
    rb = 2000
    return pl.pallas_call(
        _encode_body,
        grid=(N // rb,),
        in_specs=[
            pl.BlockSpec((NC, rb, D), lambda i: (0, i, 0)),
            pl.BlockSpec((NC, rb, DD), lambda i: (0, i, 0)),
            pl.BlockSpec((rb, D), lambda i: (i, 0)),
            pl.BlockSpec((2 * D, D), lambda i: (0, 0)),
        ],
        out_specs=pl.BlockSpec((rb, D), lambda i: (i, 0)),
        out_shape=jax.ShapeDtypeStruct((N, D), jnp.float32),
    )(feat, degs, x, W1)


def _edge_gather(h, u3, v3):
    mesh = plsc.VectorSubcoreMesh(core_axis_name="c", subcore_axis_name="s")
    out_t = jax.ShapeDtypeStruct((B_PAD, D), jnp.float32)

    @functools.partial(
        pl.kernel,
        out_type=(out_t, out_t),
        mesh=mesh,
        scratch_types=[
            pltpu.VMEM((BNCH, BCH), jnp.int32),
            pltpu.VMEM((BNCH, BCH), jnp.int32),
            pltpu.VMEM((BCH, D), jnp.float32),
            pltpu.VMEM((BCH, D), jnp.float32),
            pltpu.SemaphoreType.DMA,
            pltpu.SemaphoreType.DMA,
            pltpu.SemaphoreType.DMA,
            pltpu.SemaphoreType.DMA,
        ],
        compiler_params=pltpu.CompilerParams(use_tc_tiling_on_sc=False),
    )
    def k(h_hbm, u_hbm, v_hbm, uo_hbm, vo_hbm, idx_u, idx_v, ru, rv,
          gu, gv, wu, wv):
        cid = lax.axis_index("c")
        sid = lax.axis_index("s")
        wid = sid * NC + cid
        base = wid * BPT
        pltpu.sync_copy(u_hbm.at[pl.ds(wid * BNCH, BNCH)], idx_u)
        pltpu.sync_copy(v_hbm.at[pl.ds(wid * BNCH, BNCH)], idx_v)

        def wait_gather(rows, sem):
            pltpu.make_async_copy(h_hbm.at[idx_u.at[0]], rows, sem).wait()

        def wait_write(rows, ohbm, sem):
            pltpu.make_async_copy(rows, ohbm.at[pl.ds(base, BCH)], sem).wait()

        pltpu.async_copy(h_hbm.at[idx_u.at[0]], ru, gu)
        pltpu.async_copy(h_hbm.at[idx_v.at[0]], rv, gv)

        @pl.loop(0, BNCH - 1)
        def _(j):
            off = base + j * BCH
            wait_gather(ru, gu)
            pltpu.async_copy(ru, uo_hbm.at[pl.ds(off, BCH)], wu)
            wait_gather(rv, gv)
            pltpu.async_copy(rv, vo_hbm.at[pl.ds(off, BCH)], wv)
            wait_write(ru, uo_hbm, wu)
            pltpu.async_copy(h_hbm.at[idx_u.at[j + 1]], ru, gu)
            wait_write(rv, vo_hbm, wv)
            pltpu.async_copy(h_hbm.at[idx_v.at[j + 1]], rv, gv)

        off = base + (BNCH - 1) * BCH
        wait_gather(ru, gu)
        pltpu.async_copy(ru, uo_hbm.at[pl.ds(off, BCH)], wu)
        wait_gather(rv, gv)
        pltpu.async_copy(rv, vo_hbm.at[pl.ds(off, BCH)], wv)
        wait_write(ru, uo_hbm, wu)
        wait_write(rv, vo_hbm, wv)

    return k(h, u3, v3)


def _score_body(u_ref, v_ref, w_ref, o_ref):
    e = u_ref[...] * v_ref[...]
    o_ref[...] = lax.dot_general(
        w_ref[...], e, (((0,), (1,)), ((), ())),
        preferred_element_type=jnp.float32)


def _score(u_rows, v_rows, weight):
    rd = 4096
    return pl.pallas_call(
        _score_body,
        grid=((B + rd - 1) // rd,),
        in_specs=[
            pl.BlockSpec((rd, D), lambda i: (i, 0)),
            pl.BlockSpec((rd, D), lambda i: (i, 0)),
            pl.BlockSpec((D, C), lambda i: (0, 0)),
        ],
        out_specs=pl.BlockSpec((C, rd), lambda i: (0, i)),
        out_shape=jax.ShapeDtypeStruct((C, B), jnp.float32),
    )(u_rows, v_rows, weight)


def kernel(x, edge_index, edges, W1, weight):
    f32 = jnp.float32
    x = x.astype(f32)
    W1 = W1.astype(f32)
    weight = weight.astype(f32)
    src = edge_index[0].astype(jnp.int32)
    dst = edge_index[1].astype(jnp.int32)

    xe = jnp.concatenate(
        [x, jnp.ones((N, 1), f32), jnp.zeros((N, DE - D - 1), f32)], axis=1)
    xe = jnp.concatenate([xe, jnp.zeros((PADROWS, DE), f32)], axis=0)

    npad = E_PAD - E
    pad_iota = jnp.arange(npad, dtype=jnp.int32)
    srcp = jnp.concatenate([src, N + (pad_iota % PADROWS)])
    dstp = jnp.concatenate([dst, pad_iota % N])
    src4 = srcp.reshape(NW, NSEG, SEGC, ECH)
    dst4 = dstp.reshape(NW, NSEG, SEGC, ECH)
    zrows = jnp.zeros((ROWS_PT, DE), f32)

    feat, degs = _sage_aggregate(xe, src4, dst4, zrows)
    h = _encode(feat, degs, x, W1)

    u = edges[:, 0].astype(jnp.int32)
    v = edges[:, 1].astype(jnp.int32)

    bpad = B_PAD - B
    bpad_iota = jnp.arange(bpad, dtype=jnp.int32)
    u3 = jnp.concatenate([u, bpad_iota % N]).reshape(NW * BNCH, BCH)
    v3 = jnp.concatenate([v, bpad_iota % N]).reshape(NW * BNCH, BCH)

    u_rows, v_rows = _edge_gather(h, u3, v3)
    return _score(u_rows, v_rows, weight).T

# --- scband reference (transcript-rebuilt; emitter-appended) ---
"""Pipeline reference for scband-movielens-supervise-graph-sage-model-72773925864121 (READ-ONLY COPY).

The authoritative reference and input builder live on the scoring server;
editing this copy changes nothing except your own understanding.
"""

import jax, jax.numpy as jnp
import numpy as np

N_NODES = 10000
N_EDGES = 320000
D_FEAT = 128
NUM_CLASSES = 5
B_EDGES = 100000


def setup_inputs(seed: int = 0) -> dict:
    key = jax.random.key(seed)
    k1, k2, k3, k4, k5 = jax.random.split(key, 5)
    x = jax.random.normal(k1, (N_NODES, D_FEAT), dtype=jnp.float32)
    edge_index = jax.random.randint(k2, (2, N_EDGES), 0, N_NODES, dtype=jnp.int64)
    edges = jax.random.randint(k3, (B_EDGES, 2), 0, N_NODES, dtype=jnp.int64)
    W1 = jax.random.normal(k4, (2 * D_FEAT, D_FEAT), dtype=jnp.float32) * 0.05
    weight = jax.random.normal(k5, (D_FEAT, NUM_CLASSES), dtype=jnp.float32) * 0.05
    return {"x": x, "edge_index": edge_index, "edges": edges, "W1": W1, "weight": weight}


def reference(x, edge_index, edges, W1, weight):
    # Encoder: one GraphSAGE layer with mean aggregation over incoming neighbors.
    n = x.shape[0]
    src = edge_index[0]
    dst = edge_index[1]
    msgs = jnp.take(x, src, axis=0)                       # gather: [E, d]
    agg = jax.ops.segment_sum(msgs, dst, num_segments=n)  # scatter-add: [N, d]
    deg = jax.ops.segment_sum(jnp.ones((msgs.shape[0],), dtype=x.dtype), dst, num_segments=n)
    deg = jnp.clip(deg, 1.0, None)
    mean_agg = agg / deg[:, None]
    h = jax.nn.relu(jnp.concatenate([x, mean_agg], axis=1) @ W1)  # [N, embed_dim]
    # Edge embedding: hadamard of endpoint node embeddings (Movielens user-item edge).
    embeds = jnp.take(h, edges[:, 0], axis=0) * jnp.take(h, edges[:, 1], axis=0)  # [B, embed_dim]
    # scores = embeds.mm(self.weight)
    scores = embeds @ weight
    return scores

if __name__ == "__main__":
    import jax
    _d = setup_inputs()
    print(jax.jit(kernel)(*tuple(_d.values())))

</pallas_src>

<mosaic_0001>
#map = affine_map<(d0, d1) -> (0, 0)>
#map1 = affine_map<(d0, d1) -> (0, 0, 0, 0)>
#map2 = affine_map<(d0, d1) -> (0, 0, 0)>
module attributes {stable_mosaic.version = 14 : i64} {
  func.func @k(%arg0: i32, %arg1: i32, %arg2: memref<10128x144xf32, #tpu.memory_space<hbm>>, %arg3: memref<32x10x8x128xi32, #tpu.memory_space<hbm>>, %arg4: memref<32x10x8x128xi32, #tpu.memory_space<hbm>>, %arg5: memref<625x144xf32, #tpu.memory_space<hbm>>, %arg6: memref<2x10000x128xf32, #tpu.memory_space<hbm>>, %arg7: memref<2x10000x16xf32, #tpu.memory_space<hbm>>, %arg8: memref<2x8x128xi32, #tpu.memory_space<vmem>>, %arg9: memref<2x8x128xi32, #tpu.memory_space<vmem>>, %arg10: memref<128x144xf32, #tpu.memory_space<vmem>>, %arg11: memref<128x144xf32, #tpu.memory_space<vmem>>, %arg12: memref<10000x144xf32, #tpu.memory_space<vmem_shared>>, %arg13: memref<!tpu.dma_semaphore, #tpu.memory_space<semaphore_mem>>, %arg14: memref<!tpu.dma_semaphore, #tpu.memory_space<semaphore_mem>>, %arg15: memref<!tpu.dma_semaphore, #tpu.memory_space<semaphore_mem>>, %arg16: memref<!tpu.dma_semaphore, #tpu.memory_space<semaphore_mem>>, %arg17: memref<!tpu.dma_semaphore, #tpu.memory_space<semaphore_mem>>) attributes {dimension_semantics = [#tpu.dimension_semantics<core_parallel>, #tpu.dimension_semantics<subcore_parallel>], iteration_bounds = array<i64: 2, 16>, scalar_prefetch = 0 : i64, scratch_operands = 10 : i64, tpu.core_type = #tpu.core_type<sc_vector_subcore>, window_params = [{transform_indices = #map}, {transform_indices = #map1}, {transform_indices = #map1}, {transform_indices = #map}, {transform_indices = #map2}, {transform_indices = #map2}]} {
    %mul3A = arith.constant 2 : i32
    %mul3A_0 = arith.muli %arg1, %mul3A : i32
    %add3A = arith.addi %mul3A_0, %arg0 : i32
    %mul3A_1 = arith.constant 625 : i32
    %mul3A_2 = arith.muli %arg1, %mul3A_1 : i32
    "tpu.region"() ({
      %run_scoped3A_111 = tpu.sem_alloc : memref<!tpu.dma_semaphore, #tpu.memory_space<semaphore_mem>>
      %dma_start3A_112 = arith.constant 0 : i32
      %dma_start3A_113 = tpu.memref_slice %arg12[%mul3A_2, %dma_start3A_112] : memref<10000x144xf32, #tpu.memory_space<vmem_shared>> -> memref<625x144xf32, #tpu.memory_space<vmem_shared>>
      tpu.enqueue_dma source(%arg5 : memref<625x144xf32, #tpu.memory_space<hbm>>) target(%dma_start3A_113 : memref<625x144xf32, #tpu.memory_space<vmem_shared>>) target_semaphore(%run_scoped3A_111 : memref<!tpu.dma_semaphore, #tpu.memory_space<semaphore_mem>>)
      %dma_wait3A_114 = arith.constant 0 : i32
      %dma_wait3A_115 = tpu.memref_slice %arg12[%mul3A_2, %dma_wait3A_114] : memref<10000x144xf32, #tpu.memory_space<vmem_shared>> -> memref<625x144xf32, #tpu.memory_space<vmem_shared>>
      tpu.wait_dma2 semaphore(%run_scoped3A_111 : memref<!tpu.dma_semaphore, #tpu.memory_space<semaphore_mem>>) src(%arg5 : memref<625x144xf32, #tpu.memory_space<hbm>>) dst(%dma_wait3A_115 : memref<625x144xf32, #tpu.memory_space<vmem_shared>>)
      tpu.yield
    }) : () -> ()
    %run_scoped3A = arith.constant 0 : i32
    %run_scoped3A_3 = arith.constant 0 : i32
    "tpu.region"() ({
      %run_scoped3A_111 = tpu.sem_alloc : memref<!tpu.dma_semaphore, #tpu.memory_space<semaphore_mem>>
      %dma_start3A_112 = arith.constant 0 : i32
      %dma_start3A_113 = arith.constant 0 : i32
      %dma_start3A_114 = tpu.memref_slice %arg8[%run_scoped3A_3, %dma_start3A_112, %dma_start3A_113] : memref<2x8x128xi32, #tpu.memory_space<vmem>> -> memref<1x8x128xi32, #tpu.memory_space<vmem>>
      %dma_start3A_115 = tpu.memref_squeeze %dma_start3A_114 : memref<1x8x128xi32, #tpu.memory_space<vmem>> -> memref<8x128xi32, #tpu.memory_space<vmem>>
      %dma_start3A_116 = arith.constant 0 : i32
      %dma_start3A_117 = arith.constant 0 : i32
      %dma_start3A_118 = tpu.memref_slice %arg3[%add3A, %run_scoped3A, %dma_start3A_116, %dma_start3A_117] : memref<32x10x8x128xi32, #tpu.memory_space<hbm>> -> memref<1x1x8x128xi32, #tpu.memory_space<hbm>>
      %dma_start3A_119 = tpu.memref_squeeze %dma_start3A_118 : memref<1x1x8x128xi32, #tpu.memory_space<hbm>> -> memref<8x128xi32, #tpu.memory_space<hbm>>
      %dma_start3A_120 = arith.constant 0 : i32
      %dma_start3A_121 = arith.constant 0 : i32
      %dma_start3A_122 = tpu.memref_slice %arg8[%run_scoped3A_3, %dma_start3A_120, %dma_start3A_121] : memref<2x8x128xi32, #tpu.memory_space<vmem>> -> memref<1x8x128xi32, #tpu.memory_space<vmem>>
      %dma_start3A_123 = tpu.memref_squeeze %dma_start3A_122 : memref<1x8x128xi32, #tpu.memory_space<vmem>> -> memref<8x128xi32, #tpu.memory_space<vmem>>
      %dma_start3A_124 = arith.constant 0 : i32
      %dma_start3A_125 = arith.constant 0 : i32
      %dma_start3A_126 = tpu.memref_slice %arg3[%add3A, %run_scoped3A, %dma_start3A_124, %dma_start3A_125] : memref<32x10x8x128xi32, #tpu.memory_space<hbm>> -> memref<1x1x8x128xi32, #tpu.memory_space<hbm>>
      %dma_start3A_127 = tpu.memref_squeeze %dma_start3A_126 : memref<1x1x8x128xi32, #tpu.memory_space<hbm>> -> memref<8x128xi32, #tpu.memory_space<hbm>>
      tpu.enqueue_dma source(%dma_start3A_127 : memref<8x128xi32, #tpu.memory_space<hbm>>) target(%dma_start3A_123 : memref<8x128xi32, #tpu.memory_space<vmem>>) target_semaphore(%run_scoped3A_111 : memref<!tpu.dma_semaphore, #tpu.memory_space<semaphore_mem>>)
      %dma_wait3A_128 = arith.constant 0 : i32
      %dma_wait3A_129 = arith.constant 0 : i32
      %dma_wait3A_130 = tpu.memref_slice %arg8[%run_scoped3A_3, %dma_wait3A_128, %dma_wait3A_129] : memref<2x8x128xi32, #tpu.memory_space<vmem>> -> memref<1x8x128xi32, #tpu.memory_space<vmem>>
      %dma_wait3A_131 = tpu.memref_squeeze %dma_wait3A_130 : memref<1x8x128xi32, #tpu.memory_space<vmem>> -> memref<8x128xi32, #tpu.memory_space<vmem>>
      %dma_wait3A_132 = arith.constant 0 : i32
      %dma_wait3A_133 = arith.constant 0 : i32
      %dma_wait3A_134 = tpu.memref_slice %arg3[%add3A, %run_scoped3A, %dma_wait3A_132, %dma_wait3A_133] : memref<32x10x8x128xi32, #tpu.memory_space<hbm>> -> memref<1x1x8x128xi32, #tpu.memory_space<hbm>>
      %dma_wait3A_135 = tpu.memref_squeeze %dma_wait3A_134 : memref<1x1x8x128xi32, #tpu.memory_space<hbm>> -> memref<8x128xi32, #tpu.memory_space<hbm>>
      %dma_wait3A_136 = arith.constant 0 : i32
      %dma_wait3A_137 = arith.constant 0 : i32
      %dma_wait3A_138 = tpu.memref_slice %arg8[%run_scoped3A_3, %dma_wait3A_136, %dma_wait3A_137] : memref<2x8x128xi32, #tpu.memory_space<vmem>> -> memref<1x8x128xi32, #tpu.memory_space<vmem>>
      %dma_wait3A_139 = tpu.memref_squeeze %dma_wait3A_138 : memref<1x8x128xi32, #tpu.memory_space<vmem>> -> memref<8x128xi32, #tpu.memory_space<vmem>>
      %dma_wait3A_140 = arith.constant 0 : i32
      %dma_wait3A_141 = arith.constant 0 : i32
      %dma_wait3A_142 = tpu.memref_slice %arg3[%add3A, %run_scoped3A, %dma_wait3A_140, %dma_wait3A_141] : memref<32x10x8x128xi32, #tpu.memory_space<hbm>> -> memref<1x1x8x128xi32, #tpu.memory_space<hbm>>
      %dma_wait3A_143 = tpu.memref_squeeze %dma_wait3A_142 : memref<1x1x8x128xi32, #tpu.memory_space<hbm>> -> memref<8x128xi32, #tpu.memory_space<hbm>>
      tpu.wait_dma2 semaphore(%run_scoped3A_111 : memref<!tpu.dma_semaphore, #tpu.memory_space<semaphore_mem>>) src(%dma_wait3A_143 : memref<8x128xi32, #tpu.memory_space<hbm>>) dst(%dma_wait3A_139 : memref<8x128xi32, #tpu.memory_space<vmem>>)
      tpu.yield
    }) : () -> ()
    %run_scoped3A_4 = arith.constant 0 : i32
    %run_scoped3A_5 = arith.constant 0 : i32
    "tpu.region"() ({
      %run_scoped3A_111 = tpu.sem_alloc : memref<!tpu.dma_semaphore, #tpu.memory_space<semaphore_mem>>
      %dma_start3A_112 = arith.constant 0 : i32
      %dma_start3A_113 = arith.constant 0 : i32
      %dma_start3A_114 = tpu.memref_slice %arg9[%run_scoped3A_5, %dma_start3A_112, %dma_start3A_113] : memref<2x8x128xi32, #tpu.memory_space<vmem>> -> memref<1x8x128xi32, #tpu.memory_space<vmem>>
      %dma_start3A_115 = tpu.memref_squeeze %dma_start3A_114 : memref<1x8x128xi32, #tpu.memory_space<vmem>> -> memref<8x128xi32, #tpu.memory_space<vmem>>
      %dma_start3A_116 = arith.constant 0 : i32
      %dma_start3A_117 = arith.constant 0 : i32
      %dma_start3A_118 = tpu.memref_slice %arg4[%add3A, %run_scoped3A_4, %dma_start3A_116, %dma_start3A_117] : memref<32x10x8x128xi32, #tpu.memory_space<hbm>> -> memref<1x1x8x128xi32, #tpu.memory_space<hbm>>
      %dma_start3A_119 = tpu.memref_squeeze %dma_start3A_118 : memref<1x1x8x128xi32, #tpu.memory_space<hbm>> -> memref<8x128xi32, #tpu.memory_space<hbm>>
      %dma_start3A_120 = arith.constant 0 : i32
      %dma_start3A_121 = arith.constant 0 : i32
      %dma_start3A_122 = tpu.memref_slice %arg9[%run_scoped3A_5, %dma_start3A_120, %dma_start3A_121] : memref<2x8x128xi32, #tpu.memory_space<vmem>> -> memref<1x8x128xi32, #tpu.memory_space<vmem>>
      %dma_start3A_123 = tpu.memref_squeeze %dma_start3A_122 : memref<1x8x128xi32, #tpu.memory_space<vmem>> -> memref<8x128xi32, #tpu.memory_space<vmem>>
      %dma_start3A_124 = arith.constant 0 : i32
      %dma_start3A_125 = arith.constant 0 : i32
      %dma_start3A_126 = tpu.memref_slice %arg4[%add3A, %run_scoped3A_4, %dma_start3A_124, %dma_start3A_125] : memref<32x10x8x128xi32, #tpu.memory_space<hbm>> -> memref<1x1x8x128xi32, #tpu.memory_space<hbm>>
      %dma_start3A_127 = tpu.memref_squeeze %dma_start3A_126 : memref<1x1x8x128xi32, #tpu.memory_space<hbm>> -> memref<8x128xi32, #tpu.memory_space<hbm>>
      tpu.enqueue_dma source(%dma_start3A_127 : memref<8x128xi32, #tpu.memory_space<hbm>>) target(%dma_start3A_123 : memref<8x128xi32, #tpu.memory_space<vmem>>) target_semaphore(%run_scoped3A_111 : memref<!tpu.dma_semaphore, #tpu.memory_space<semaphore_mem>>)
      %dma_wait3A_128 = arith.constant 0 : i32
      %dma_wait3A_129 = arith.constant 0 : i32
      %dma_wait3A_130 = tpu.memref_slice %arg9[%run_scoped3A_5, %dma_wait3A_128, %dma_wait3A_129] : memref<2x8x128xi32, #tpu.memory_space<vmem>> -> memref<1x8x128xi32, #tpu.memory_space<vmem>>
      %dma_wait3A_131 = tpu.memref_squeeze %dma_wait3A_130 : memref<1x8x128xi32, #tpu.memory_space<vmem>> -> memref<8x128xi32, #tpu.memory_space<vmem>>
      %dma_wait3A_132 = arith.constant 0 : i32
      %dma_wait3A_133 = arith.constant 0 : i32
      %dma_wait3A_134 = tpu.memref_slice %arg4[%add3A, %run_scoped3A_4, %dma_wait3A_132, %dma_wait3A_133] : memref<32x10x8x128xi32, #tpu.memory_space<hbm>> -> memref<1x1x8x128xi32, #tpu.memory_space<hbm>>
      %dma_wait3A_135 = tpu.memref_squeeze %dma_wait3A_134 : memref<1x1x8x128xi32, #tpu.memory_space<hbm>> -> memref<8x128xi32, #tpu.memory_space<hbm>>
      %dma_wait3A_136 = arith.constant 0 : i32
      %dma_wait3A_137 = arith.constant 0 : i32
      %dma_wait3A_138 = tpu.memref_slice %arg9[%run_scoped3A_5, %dma_wait3A_136, %dma_wait3A_137] : memref<2x8x128xi32, #tpu.memory_space<vmem>> -> memref<1x8x128xi32, #tpu.memory_space<vmem>>
      %dma_wait3A_139 = tpu.memref_squeeze %dma_wait3A_138 : memref<1x8x128xi32, #tpu.memory_space<vmem>> -> memref<8x128xi32, #tpu.memory_space<vmem>>
      %dma_wait3A_140 = arith.constant 0 : i32
      %dma_wait3A_141 = arith.constant 0 : i32
      %dma_wait3A_142 = tpu.memref_slice %arg4[%add3A, %run_scoped3A_4, %dma_wait3A_140, %dma_wait3A_141] : memref<32x10x8x128xi32, #tpu.memory_space<hbm>> -> memref<1x1x8x128xi32, #tpu.memory_space<hbm>>
      %dma_wait3A_143 = tpu.memref_squeeze %dma_wait3A_142 : memref<1x1x8x128xi32, #tpu.memory_space<hbm>> -> memref<8x128xi32, #tpu.memory_space<hbm>>
      tpu.wait_dma2 semaphore(%run_scoped3A_111 : memref<!tpu.dma_semaphore, #tpu.memory_space<semaphore_mem>>) src(%dma_wait3A_143 : memref<8x128xi32, #tpu.memory_space<hbm>>) dst(%dma_wait3A_139 : memref<8x128xi32, #tpu.memory_space<vmem>>)
      tpu.yield
    }) : () -> ()
    %dma_start3A = arith.constant 1 : i32
    %dma_start3A_6 = arith.constant 1 : i32
    %dma_start3A_7 = arith.constant 0 : i32
    %dma_start3A_8 = arith.constant 0 : i32
    %dma_start3A_9 = tpu.memref_slice %arg8[%dma_start3A_6, %dma_start3A_7, %dma_start3A_8] : memref<2x8x128xi32, #tpu.memory_space<vmem>> -> memref<1x8x128xi32, #tpu.memory_space<vmem>>
    %dma_start3A_10 = tpu.memref_squeeze %dma_start3A_9 : memref<1x8x128xi32, #tpu.memory_space<vmem>> -> memref<8x128xi32, #tpu.memory_space<vmem>>
    %dma_start3A_11 = arith.constant 0 : i32
    %dma_start3A_12 = arith.constant 0 : i32
    %dma_start3A_13 = tpu.memref_slice %arg3[%add3A, %dma_start3A, %dma_start3A_11, %dma_start3A_12] : memref<32x10x8x128xi32, #tpu.memory_space<hbm>> -> memref<1x1x8x128xi32, #tpu.memory_space<hbm>>
    %dma_start3A_14 = tpu.memref_squeeze %dma_start3A_13 : memref<1x1x8x128xi32, #tpu.memory_space<hbm>> -> memref<8x128xi32, #tpu.memory_space<hbm>>
    %dma_start3A_15 = arith.constant 0 : i32
    %dma_start3A_16 = arith.constant 0 : i32
    %dma_start3A_17 = tpu.memref_slice %arg8[%dma_start3A_6, %dma_start3A_15, %dma_start3A_16] : memref<2x8x128xi32, #tpu.memory_space<vmem>> -> memref<1x8x128xi32, #tpu.memory_space<vmem>>
    %dma_start3A_18 = tpu.memref_squeeze %dma_start3A_17 : memref<1x8x128xi32, #tpu.memory_space<vmem>> -> memref<8x128xi32, #tpu.memory_space<vmem>>
    %dma_start3A_19 = arith.constant 0 : i32
    %dma_start3A_20 = arith.constant 0 : i32
    %dma_start3A_21 = tpu.memref_slice %arg3[%add3A, %dma_start3A, %dma_start3A_19, %dma_start3A_20] : memref<32x10x8x128xi32, #tpu.memory_space<hbm>> -> memref<1x1x8x128xi32, #tpu.memory_space<hbm>>
    %dma_start3A_22 = tpu.memref_squeeze %dma_start3A_21 : memref<1x1x8x128xi32, #tpu.memory_space<hbm>> -> memref<8x128xi32, #tpu.memory_space<hbm>>
    tpu.enqueue_dma source(%dma_start3A_22 : memref<8x128xi32, #tpu.memory_space<hbm>>) target(%dma_start3A_18 : memref<8x128xi32, #tpu.memory_space<vmem>>) target_semaphore(%arg17 : memref<!tpu.dma_semaphore, #tpu.memory_space<semaphore_mem>>)
    %dma_start3A_23 = arith.constant 1 : i32
    %dma_start3A_24 = arith.constant 1 : i32
    %dma_start3A_25 = arith.constant 0 : i32
    %dma_start3A_26 = arith.constant 0 : i32
    %dma_start3A_27 = tpu.memref_slice %arg9[%dma_start3A_24, %dma_start3A_25, %dma_start3A_26] : memref<2x8x128xi32, #tpu.memory_space<vmem>> -> memref<1x8x128xi32, #tpu.memory_space<vmem>>
    %dma_start3A_28 = tpu.memref_squeeze %dma_start3A_27 : memref<1x8x128xi32, #tpu.memory_space<vmem>> -> memref<8x128xi32, #tpu.memory_space<vmem>>
    %dma_start3A_29 = arith.constant 0 : i32
    %dma_start3A_30 = arith.constant 0 : i32
    %dma_start3A_31 = tpu.memref_slice %arg4[%add3A, %dma_start3A_23, %dma_start3A_29, %dma_start3A_30] : memref<32x10x8x128xi32, #tpu.memory_space<hbm>> -> memref<1x1x8x128xi32, #tpu.memory_space<hbm>>
    %dma_start3A_32 = tpu.memref_squeeze %dma_start3A_31 : memref<1x1x8x128xi32, #tpu.memory_space<hbm>> -> memref<8x128xi32, #tpu.memory_space<hbm>>
    %dma_start3A_33 = arith.constant 0 : i32
    %dma_start3A_34 = arith.constant 0 : i32
    %dma_start3A_35 = tpu.memref_slice %arg9[%dma_start3A_24, %dma_start3A_33, %dma_start3A_34] : memref<2x8x128xi32, #tpu.memory_space<vmem>> -> memref<1x8x128xi32, #tpu.memory_space<vmem>>
    %dma_start3A_36 = tpu.memref_squeeze %dma_start3A_35 : memref<1x8x128xi32, #tpu.memory_space<vmem>> -> memref<8x128xi32, #tpu.memory_space<vmem>>
    %dma_start3A_37 = arith.constant 0 : i32
    %dma_start3A_38 = arith.constant 0 : i32
    %dma_start3A_39 = tpu.memref_slice %arg4[%add3A, %dma_start3A_23, %dma_start3A_37, %dma_start3A_38] : memref<32x10x8x128xi32, #tpu.memory_space<hbm>> -> memref<1x1x8x128xi32, #tpu.memory_space<hbm>>
    %dma_start3A_40 = tpu.memref_squeeze %dma_start3A_39 : memref<1x1x8x128xi32, #tpu.memory_space<hbm>> -> memref<8x128xi32, #tpu.memory_space<hbm>>
    tpu.enqueue_dma source(%dma_start3A_40 : memref<8x128xi32, #tpu.memory_space<hbm>>) target(%dma_start3A_36 : memref<8x128xi32, #tpu.memory_space<vmem>>) target_semaphore(%arg17 : memref<!tpu.dma_semaphore, #tpu.memory_space<semaphore_mem>>)
    %barrier3A = arith.constant 0 : index
    tpu.barrier barrier_id(%barrier3A)
    %dma_start3A_41 = arith.constant 0 : i32
    %dma_start3A_42 = arith.constant 0 : i32
    %dma_start3A_43 = arith.constant 0 : i32
    %dma_start3A_44 = tpu.memref_slice %arg8[%dma_start3A_41, %dma_start3A_42, %dma_start3A_43] : memref<2x8x128xi32, #tpu.memory_space<vmem>> -> memref<1x1x128xi32, #tpu.memory_space<vmem>>
    %dma_start3A_45 = tpu.memref_squeeze %dma_start3A_44 : memref<1x1x128xi32, #tpu.memory_space<vmem>> -> memref<128xi32, #tpu.memory_space<vmem>>
    %dma_start3A_46 = arith.constant 0 : i32
    %dma_start3A_47 = arith.constant 0 : i32
    %dma_start3A_48 = tpu.memref_slice %arg2[%dma_start3A_46, %dma_start3A_47] : memref<10128x144xf32, #tpu.memory_space<hbm>> -> memref<10128x144xf32, #tpu.memory_space<hbm>>
    tpu.enqueue_indirect_dma source(%dma_start3A_48 : memref<10128x144xf32, #tpu.memory_space<hbm>>) target(%arg10 : memref<128x144xf32, #tpu.memory_space<vmem>>) offsets(%dma_start3A_45 : memref<128xi32, #tpu.memory_space<vmem>>) semaphore(%arg13 : memref<!tpu.dma_semaphore, #tpu.memory_space<semaphore_mem>>)
    %dma_start3A_49 = arith.constant 0 : i32
    %dma_start3A_50 = arith.constant 1 : i32
    %dma_start3A_51 = arith.constant 0 : i32
    %dma_start3A_52 = tpu.memref_slice %arg8[%dma_start3A_49, %dma_start3A_50, %dma_start3A_51] : memref<2x8x128xi32, #tpu.memory_space<vmem>> -> memref<1x1x128xi32, #tpu.memory_space<vmem>>
    %dma_start3A_53 = tpu.memref_squeeze %dma_start3A_52 : memref<1x1x128xi32, #tpu.memory_space<vmem>> -> memref<128xi32, #tpu.memory_space<vmem>>
    %dma_start3A_54 = arith.constant 0 : i32
    %dma_start3A_55 = arith.constant 0 : i32
    %dma_start3A_56 = tpu.memref_slice %arg2[%dma_start3A_54, %dma_start3A_55] : memref<10128x144xf32, #tpu.memory_space<hbm>> -> memref<10128x144xf32, #tpu.memory_space<hbm>>
    tpu.enqueue_indirect_dma source(%dma_start3A_56 : memref<10128x144xf32, #tpu.memory_space<hbm>>) target(%arg11 : memref<128x144xf32, #tpu.memory_space<vmem>>) offsets(%dma_start3A_53 : memref<128xi32, #tpu.memory_space<vmem>>) semaphore(%arg14 : memref<!tpu.dma_semaphore, #tpu.memory_space<semaphore_mem>>)
    %scan3A = arith.constant 0 : i32
    %scan3A_57 = arith.constant 39 : i32
    %scan3A_58 = arith.addi %scan3A, %scan3A_57 : i32
    %scan3A_59 = arith.constant 1 : i32
    scf.for %scan3A_111 = %scan3A to %scan3A_58 step %scan3A_59  : i32 {
      %mul3A_112 = arith.constant 1 : i32
      %mul3A_113 = arith.muli %scan3A_111, %mul3A_112 : i32
      %add3A_114 = arith.constant 0 : i32
      %add3A_115 = arith.addi %add3A_114, %mul3A_113 : i32
      %jit3A = arith.constant 4 : i32
      %div3A = arith.divsi %add3A_115, %jit3A : i32
      %sign3A = arith.constant 0 : i32
      %sign3A_116 = arith.cmpi sgt, %add3A_115, %sign3A : i32
      %sign3A_117 = arith.extui %sign3A_116 : i1 to i32
      %sign3A_118 = arith.constant 0 : i32
      %sign3A_119 = arith.cmpi slt, %add3A_115, %sign3A_118 : i32
      %sign3A_120 = arith.extui %sign3A_119 : i1 to i32
      %sign3A_121 = arith.subi %sign3A_117, %sign3A_120 : i32
      %sign3A_122 = arith.constant 0 : i32
      %sign3A_123 = arith.cmpi sgt, %jit3A, %sign3A_122 : i32
      %sign3A_124 = arith.extui %sign3A_123 : i1 to i32
      %sign3A_125 = arith.constant 0 : i32
      %sign3A_126 = arith.cmpi slt, %jit3A, %sign3A_125 : i32
      %sign3A_127 = arith.extui %sign3A_126 : i1 to i32
      %sign3A_128 = arith.subi %sign3A_124, %sign3A_127 : i32
      %ne3A = arith.cmpi ne, %sign3A_121, %sign3A_128 : i32
      %rem3A_129 = arith.remsi %add3A_115, %jit3A : i32
      %ne3A_130 = arith.constant 0 : i32
      %ne3A_131 = arith.cmpi ne, %rem3A_129, %ne3A_130 : i32
      %and3A = arith.andi %ne3A, %ne3A_131 : i1
      %sub3A = arith.constant 1 : i32
      %sub3A_132 = arith.subi %div3A, %sub3A : i32
      %select_n3A = arith.select %and3A, %sub3A_132, %div3A : i32
      %jit3A_133 = arith.constant 4 : i32
      %eq3A = arith.constant 0 : i32
      %eq3A_134 = arith.cmpi eq, %jit3A_133, %eq3A : i32
      %jit3A_135 = arith.constant 1 : i32
      %select_n3A_136 = arith.select %eq3A_134, %jit3A_135, %jit3A_133 : i32
      %rem3A_137 = arith.remsi %add3A_115, %select_n3A_136 : i32
      %ne3A_138 = arith.constant 0 : i32
      %ne3A_139 = arith.cmpi ne, %rem3A_137, %ne3A_138 : i32
      %lt3A = arith.constant 0 : i32
      %lt3A_140 = arith.cmpi slt, %rem3A_137, %lt3A : i32
      %lt3A_141 = arith.constant 0 : i32
      %lt3A_142 = arith.cmpi slt, %select_n3A_136, %lt3A_141 : i32
      %ne3A_143 = arith.xori %lt3A_140, %lt3A_142 : i1
      %and3A_144 = arith.andi %ne3A_143, %ne3A_139 : i1
      %add3A_145 = arith.addi %rem3A_137, %select_n3A_136 : i32
      %select_n3A_146 = arith.select %and3A_144, %add3A_145, %rem3A_137 : i32
      %mul3A_147 = arith.constant 2 : i32
      %mul3A_148 = arith.muli %mul3A_147, %select_n3A_146 : i32
      %rem3A_149 = arith.constant 2 : i32
      %rem3A_150 = arith.remsi %select_n3A, %rem3A_149 : i32
      %add3A_151 = arith.constant 1 : i32
      %add3A_152 = arith.addi %add3A_115, %add3A_151 : i32
      %jit3A_153 = arith.constant 4 : i32
      %div3A_154 = arith.divsi %add3A_152, %jit3A_153 : i32
      %sign3A_155 = arith.constant 0 : i32
      %sign3A_156 = arith.cmpi sgt, %add3A_152, %sign3A_155 : i32
      %sign3A_157 = arith.extui %sign3A_156 : i1 to i32
      %sign3A_158 = arith.constant 0 : i32
      %sign3A_159 = arith.cmpi slt, %add3A_152, %sign3A_158 : i32
      %sign3A_160 = arith.extui %sign3A_159 : i1 to i32
      %sign3A_161 = arith.subi %sign3A_157, %sign3A_160 : i32
      %sign3A_162 = arith.constant 0 : i32
      %sign3A_163 = arith.cmpi sgt, %jit3A_153, %sign3A_162 : i32
      %sign3A_164 = arith.extui %sign3A_163 : i1 to i32
      %sign3A_165 = arith.constant 0 : i32
      %sign3A_166 = arith.cmpi slt, %jit3A_153, %sign3A_165 : i32
      %sign3A_167 = arith.extui %sign3A_166 : i1 to i32
      %sign3A_168 = arith.subi %sign3A_164, %sign3A_167 : i32
      %ne3A_169 = arith.cmpi ne, %sign3A_161, %sign3A_168 : i32
      %rem3A_170 = arith.remsi %add3A_152, %jit3A_153 : i32
      %ne3A_171 = arith.constant 0 : i32
      %ne3A_172 = arith.cmpi ne, %rem3A_170, %ne3A_171 : i32
      %and3A_173 = arith.andi %ne3A_169, %ne3A_172 : i1
      %sub3A_174 = arith.constant 1 : i32
      %sub3A_175 = arith.subi %div3A_154, %sub3A_174 : i32
      %select_n3A_176 = arith.select %and3A_173, %sub3A_175, %div3A_154 : i32
      %add3A_177 = arith.constant 1 : i32
      %add3A_178 = arith.addi %add3A_115, %add3A_177 : i32
      %rem3A_179 = arith.constant 4 : i32
      %rem3A_180 = arith.remsi %add3A_178, %rem3A_179 : i32
      %mul3A_181 = arith.constant 2 : i32
      %mul3A_182 = arith.muli %mul3A_181, %rem3A_180 : i32
      %rem3A_183 = arith.constant 2 : i32
      %rem3A_184 = arith.remsi %select_n3A_176, %rem3A_183 : i32
      %dma_wait3A_185 = arith.constant 0 : i32
      %dma_wait3A_186 = arith.constant 0 : i32
      %dma_wait3A_187 = arith.constant 0 : i32
      %dma_wait3A_188 = tpu.memref_slice %arg8[%dma_wait3A_185, %dma_wait3A_186, %dma_wait3A_187] : memref<2x8x128xi32, #tpu.memory_space<vmem>> -> memref<1x1x128xi32, #tpu.memory_space<vmem>>
      %dma_wait3A_189 = tpu.memref_squeeze %dma_wait3A_188 : memref<1x1x128xi32, #tpu.memory_space<vmem>> -> memref<128xi32, #tpu.memory_space<vmem>>
      %dma_wait3A_190 = arith.constant 0 : i32
      %dma_wait3A_191 = arith.constant 0 : i32
      %dma_wait3A_192 = tpu.memref_slice %arg2[%dma_wait3A_190, %dma_wait3A_191] : memref<10128x144xf32, #tpu.memory_space<hbm>> -> memref<10128x144xf32, #tpu.memory_space<hbm>>
      tpu.wait_indirect_dma semaphore(%arg13 : memref<!tpu.dma_semaphore, #tpu.memory_space<semaphore_mem>>) src(%dma_wait3A_192 : memref<10128x144xf32, #tpu.memory_space<hbm>>) dst(%arg10 : memref<128x144xf32, #tpu.memory_space<vmem>>)
      %dma_start3A_193 = arith.constant 0 : i32
      %dma_start3A_194 = tpu.memref_slice %arg9[%rem3A_150, %mul3A_148, %dma_start3A_193] : memref<2x8x128xi32, #tpu.memory_space<vmem>> -> memref<1x1x128xi32, #tpu.memory_space<vmem>>
      %dma_start3A_195 = tpu.memref_squeeze %dma_start3A_194 : memref<1x1x128xi32, #tpu.memory_space<vmem>> -> memref<128xi32, #tpu.memory_space<vmem>>
      %dma_start3A_196 = arith.constant 0 : i32
      %dma_start3A_197 = arith.constant 0 : i32
      %dma_start3A_198 = tpu.memref_slice %arg12[%dma_start3A_196, %dma_start3A_197] : memref<10000x144xf32, #tpu.memory_space<vmem_shared>> -> memref<10000x144xf32, #tpu.memory_space<vmem_shared>>
      tpu.enqueue_indirect_dma source(%arg10 : memref<128x144xf32, #tpu.memory_space<vmem>>) target(%dma_start3A_198 : memref<10000x144xf32, #tpu.memory_space<vmem_shared>>) offsets(%dma_start3A_195 : memref<128xi32, #tpu.memory_space<vmem>>) semaphore(%arg15 : memref<!tpu.dma_semaphore, #tpu.memory_space<semaphore_mem>>) {add = true}
      %dma_wait3A_199 = arith.constant 0 : i32
      %dma_wait3A_200 = arith.constant 0 : i32
      %dma_wait3A_201 = arith.constant 0 : i32
      %dma_wait3A_202 = tpu.memref_slice %arg8[%dma_wait3A_199, %dma_wait3A_200, %dma_wait3A_201] : memref<2x8x128xi32, #tpu.memory_space<vmem>> -> memref<1x1x128xi32, #tpu.memory_space<vmem>>
      %dma_wait3A_203 = tpu.memref_squeeze %dma_wait3A_202 : memref<1x1x128xi32, #tpu.memory_space<vmem>> -> memref<128xi32, #tpu.memory_space<vmem>>
      %dma_wait3A_204 = arith.constant 0 : i32
      %dma_wait3A_205 = arith.constant 0 : i32
      %dma_wait3A_206 = tpu.memref_slice %arg2[%dma_wait3A_204, %dma_wait3A_205] : memref<10128x144xf32, #tpu.memory_space<hbm>> -> memref<10128x144xf32, #tpu.memory_space<hbm>>
      tpu.wait_indirect_dma semaphore(%arg14 : memref<!tpu.dma_semaphore, #tpu.memory_space<semaphore_mem>>) src(%dma_wait3A_206 : memref<10128x144xf32, #tpu.memory_space<hbm>>) dst(%arg11 : memref<128x144xf32, #tpu.memory_space<vmem>>)
      %add3A_207 = arith.constant 1 : i32
      %add3A_208 = arith.addi %mul3A_148, %add3A_207 : i32
      %dma_start3A_209 = arith.constant 0 : i32
      %dma_start3A_210 = tpu.memref_slice %arg9[%rem3A_150, %add3A_208, %dma_start3A_209] : memref<2x8x128xi32, #tpu.memory_space<vmem>> -> memref<1x1x128xi32, #tpu.memory_space<vmem>>
      %dma_start3A_211 = tpu.memref_squeeze %dma_start3A_210 : memref<1x1x128xi32, #tpu.memory_space<vmem>> -> memref<128xi32, #tpu.memory_space<vmem>>
      %dma_start3A_212 = arith.constant 0 : i32
      %dma_start3A_213 = arith.constant 0 : i32
      %dma_start3A_214 = tpu.memref_slice %arg12[%dma_start3A_212, %dma_start3A_213] : memref<10000x144xf32, #tpu.memory_space<vmem_shared>> -> memref<10000x144xf32, #tpu.memory_space<vmem_shared>>
      tpu.enqueue_indirect_dma source(%arg11 : memref<128x144xf32, #tpu.memory_space<vmem>>) target(%dma_start3A_214 : memref<10000x144xf32, #tpu.memory_space<vmem_shared>>) offsets(%dma_start3A_211 : memref<128xi32, #tpu.memory_space<vmem>>) semaphore(%arg16 : memref<!tpu.dma_semaphore, #tpu.memory_space<semaphore_mem>>) {add = true}
      %rem3A_215 = arith.constant 4 : i32
      %rem3A_216 = arith.remsi %add3A_115, %rem3A_215 : i32
      %eq3A_217 = arith.constant 3 : i32
      %eq3A_218 = arith.cmpi eq, %rem3A_216, %eq3A_217 : i32
      %convert_element_type3A = arith.extui %eq3A_218 : i1 to i32
      %cond3A = arith.constant 0 : i32
      %cond3A_219 = arith.cmpi ne, %convert_element_type3A, %cond3A : i32
      scf.if %cond3A_219 {
        %dma_wait3A_262 = arith.constant 0 : i32
        %dma_wait3A_263 = arith.constant 0 : i32
        %dma_wait3A_264 = arith.constant 0 : i32
        %dma_wait3A_265 = arith.constant 0 : i32
        %dma_wait3A_266 = tpu.memref_slice %arg8[%dma_wait3A_263, %dma_wait3A_264, %dma_wait3A_265] : memref<2x8x128xi32, #tpu.memory_space<vmem>> -> memref<1x8x128xi32, #tpu.memory_space<vmem>>
        %dma_wait3A_267 = tpu.memref_squeeze %dma_wait3A_266 : memref<1x8x128xi32, #tpu.memory_space<vmem>> -> memref<8x128xi32, #tpu.memory_space<vmem>>
        %dma_wait3A_268 = arith.constant 0 : i32
        %dma_wait3A_269 = arith.constant 0 : i32
        %dma_wait3A_270 = tpu.memref_slice %arg3[%add3A, %dma_wait3A_262, %dma_wait3A_268, %dma_wait3A_269] : memref<32x10x8x128xi32, #tpu.memory_space<hbm>> -> memref<1x1x8x128xi32, #tpu.memory_space<hbm>>
        %dma_wait3A_271 = tpu.memref_squeeze %dma_wait3A_270 : memref<1x1x8x128xi32, #tpu.memory_space<hbm>> -> memref<8x128xi32, #tpu.memory_space<hbm>>
        %dma_wait3A_272 = arith.constant 0 : i32
        %dma_wait3A_273 = arith.constant 0 : i32
        %dma_wait3A_274 = tpu.memref_slice %arg8[%dma_wait3A_263, %dma_wait3A_272, %dma_wait3A_273] : memref<2x8x128xi32, #tpu.memory_space<vmem>> -> memref<1x8x128xi32, #tpu.memory_space<vmem>>
        %dma_wait3A_275 = tpu.memref_squeeze %dma_wait3A_274 : memref<1x8x128xi32, #tpu.memory_space<vmem>> -> memref<8x128xi32, #tpu.memory_space<vmem>>
        %dma_wait3A_276 = arith.constant 0 : i32
        %dma_wait3A_277 = arith.constant 0 : i32
        %dma_wait3A_278 = tpu.memref_slice %arg3[%add3A, %dma_wait3A_262, %dma_wait3A_276, %dma_wait3A_277] : memref<32x10x8x128xi32, #tpu.memory_space<hbm>> -> memref<1x1x8x128xi32, #tpu.memory_space<hbm>>
        %dma_wait3A_279 = tpu.memref_squeeze %dma_wait3A_278 : memref<1x1x8x128xi32, #tpu.memory_space<hbm>> -> memref<8x128xi32, #tpu.memory_space<hbm>>
        tpu.wait_dma2 semaphore(%arg17 : memref<!tpu.dma_semaphore, #tpu.memory_space<semaphore_mem>>) src(%dma_wait3A_279 : memref<8x128xi32, #tpu.memory_space<hbm>>) dst(%dma_wait3A_275 : memref<8x128xi32, #tpu.memory_space<vmem>>)
        %dma_wait3A_280 = arith.constant 0 : i32
        %dma_wait3A_281 = arith.constant 0 : i32
        %dma_wait3A_282 = arith.constant 0 : i32
        %dma_wait3A_283 = arith.constant 0 : i32
        %dma_wait3A_284 = tpu.memref_slice %arg9[%dma_wait3A_281, %dma_wait3A_282, %dma_wait3A_283] : memref<2x8x128xi32, #tpu.memory_space<vmem>> -> memref<1x8x128xi32, #tpu.memory_space<vmem>>
        %dma_wait3A_285 = tpu.memref_squeeze %dma_wait3A_284 : memref<1x8x128xi32, #tpu.memory_space<vmem>> -> memref<8x128xi32, #tpu.memory_space<vmem>>
        %dma_wait3A_286 = arith.constant 0 : i32
        %dma_wait3A_287 = arith.constant 0 : i32
        %dma_wait3A_288 = tpu.memref_slice %arg4[%add3A, %dma_wait3A_280, %dma_wait3A_286, %dma_wait3A_287] : memref<32x10x8x128xi32, #tpu.memory_space<hbm>> -> memref<1x1x8x128xi32, #tpu.memory_space<hbm>>
        %dma_wait3A_289 = tpu.memref_squeeze %dma_wait3A_288 : memref<1x1x8x128xi32, #tpu.memory_space<hbm>> -> memref<8x128xi32, #tpu.memory_space<hbm>>
        %dma_wait3A_290 = arith.constant 0 : i32
        %dma_wait3A_291 = arith.constant 0 : i32
        %dma_wait3A_292 = tpu.memref_slice %arg9[%dma_wait3A_281, %dma_wait3A_290, %dma_wait3A_291] : memref<2x8x128xi32, #tpu.memory_space<vmem>> -> memref<1x8x128xi32, #tpu.memory_space<vmem>>
        %dma_wait3A_293 = tpu.memref_squeeze %dma_wait3A_292 : memref<1x8x128xi32, #tpu.memory_space<vmem>> -> memref<8x128xi32, #tpu.memory_space<vmem>>
        %dma_wait3A_294 = arith.constant 0 : i32
        %dma_wait3A_295 = arith.constant 0 : i32
        %dma_wait3A_296 = tpu.memref_slice %arg4[%add3A, %dma_wait3A_280, %dma_wait3A_294, %dma_wait3A_295] : memref<32x10x8x128xi32, #tpu.memory_space<hbm>> -> memref<1x1x8x128xi32, #tpu.memory_space<hbm>>
        %dma_wait3A_297 = tpu.memref_squeeze %dma_wait3A_296 : memref<1x1x8x128xi32, #tpu.memory_space<hbm>> -> memref<8x128xi32, #tpu.memory_space<hbm>>
        tpu.wait_dma2 semaphore(%arg17 : memref<!tpu.dma_semaphore, #tpu.memory_space<semaphore_mem>>) src(%dma_wait3A_297 : memref<8x128xi32, #tpu.memory_space<hbm>>) dst(%dma_wait3A_293 : memref<8x128xi32, #tpu.memory_space<vmem>>)
      } else {
      }
      %dma_wait3A_220 = arith.constant 0 : i32
      %dma_wait3A_221 = arith.constant 0 : i32
      %dma_wait3A_222 = arith.constant 0 : i32
      %dma_wait3A_223 = tpu.memref_slice %arg9[%dma_wait3A_220, %dma_wait3A_221, %dma_wait3A_222] : memref<2x8x128xi32, #tpu.memory_space<vmem>> -> memref<1x1x128xi32, #tpu.memory_space<vmem>>
      %dma_wait3A_224 = tpu.memref_squeeze %dma_wait3A_223 : memref<1x1x128xi32, #tpu.memory_space<vmem>> -> memref<128xi32, #tpu.memory_space<vmem>>
      %dma_wait3A_225 = arith.constant 0 : i32
      %dma_wait3A_226 = arith.constant 0 : i32
      %dma_wait3A_227 = tpu.memref_slice %arg12[%dma_wait3A_225, %dma_wait3A_226] : memref<10000x144xf32, #tpu.memory_space<vmem_shared>> -> memref<10000x144xf32, #tpu.memory_space<vmem_shared>>
      tpu.wait_indirect_dma semaphore(%arg15 : memref<!tpu.dma_semaphore, #tpu.memory_space<semaphore_mem>>) src(%arg10 : memref<128x144xf32, #tpu.memory_space<vmem>>) dst(%dma_wait3A_227 : memref<10000x144xf32, #tpu.memory_space<vmem_shared>>)
      %dma_start3A_228 = arith.constant 0 : i32
      %dma_start3A_229 = tpu.memref_slice %arg8[%rem3A_184, %mul3A_182, %dma_start3A_228] : memref<2x8x128xi32, #tpu.memory_space<vmem>> -> memref<1x1x128xi32, #tpu.memory_space<vmem>>
      %dma_start3A_230 = tpu.memref_squeeze %dma_start3A_229 : memref<1x1x128xi32, #tpu.memory_space<vmem>> -> memref<128xi32, #tpu.memory_space<vmem>>
      %dma_start3A_231 = arith.constant 0 : i32
      %dma_start3A_232 = arith.constant 0 : i32
      %dma_start3A_233 = tpu.memref_slice %arg2[%dma_start3A_231, %dma_start3A_232] : memref<10128x144xf32, #tpu.memory_space<hbm>> -> memref<10128x144xf32, #tpu.memory_space<hbm>>
      tpu.enqueue_indirect_dma source(%dma_start3A_233 : memref<10128x144xf32, #tpu.memory_space<hbm>>) target(%arg10 : memref<128x144xf32, #tpu.memory_space<vmem>>) offsets(%dma_start3A_230 : memref<128xi32, #tpu.memory_space<vmem>>) semaphore(%arg13 : memref<!tpu.dma_semaphore, #tpu.memory_space<semaphore_mem>>)
      %dma_wait3A_234 = arith.constant 0 : i32
      %dma_wait3A_235 = arith.constant 0 : i32
      %dma_wait3A_236 = arith.constant 0 : i32
      %dma_wait3A_237 = tpu.memref_slice %arg9[%dma_wait3A_234, %dma_wait3A_235, %dma_wait3A_236] : memref<2x8x128xi32, #tpu.memory_space<vmem>> -> memref<1x1x128xi32, #tpu.memory_space<vmem>>
      %dma_wait3A_238 = tpu.memref_squeeze %dma_wait3A_237 : memref<1x1x128xi32, #tpu.memory_space<vmem>> -> memref<128xi32, #tpu.memory_space<vmem>>
      %dma_wait3A_239 = arith.constant 0 : i32
      %dma_wait3A_240 = arith.constant 0 : i32
      %dma_wait3A_241 = tpu.memref_slice %arg12[%dma_wait3A_239, %dma_wait3A_240] : memref<10000x144xf32, #tpu.memory_space<vmem_shared>> -> memref<10000x144xf32, #tpu.memory_space<vmem_shared>>
      tpu.wait_indirect_dma semaphore(%arg16 : memref<!tpu.dma_semaphore, #tpu.memory_space<semaphore_mem>>) src(%arg11 : memref<128x144xf32, #tpu.memory_space<vmem>>) dst(%dma_wait3A_241 : memref<10000x144xf32, #tpu.memory_space<vmem_shared>>)
      %add3A_242 = arith.constant 1 : i32
      %add3A_243 = arith.addi %mul3A_182, %add3A_242 : i32
      %dma_start3A_244 = arith.constant 0 : i32
      %dma_start3A_245 = tpu.memref_slice %arg8[%rem3A_184, %add3A_243, %dma_start3A_244] : memref<2x8x128xi32, #tpu.memory_space<vmem>> -> memref<1x1x128xi32, #tpu.memory_space<vmem>>
      %dma_start3A_246 = tpu.memref_squeeze %dma_start3A_245 : memref<1x1x128xi32, #tpu.memory_space<vmem>> -> memref<128xi32, #tpu.memory_space<vmem>>
      %dma_start3A_247 = arith.constant 0 : i32
      %dma_start3A_248 = arith.constant 0 : i32
      %dma_start3A_249 = tpu.memref_slice %arg2[%dma_start3A_247, %dma_start3A_248] : memref<10128x144xf32, #tpu.memory_space<hbm>> -> memref<10128x144xf32, #tpu.memory_space<hbm>>
      tpu.enqueue_indirect_dma source(%dma_start3A_249 : memref<10128x144xf32, #tpu.memory_space<hbm>>) target(%arg11 : memref<128x144xf32, #tpu.memory_space<vmem>>) offsets(%dma_start3A_246 : memref<128xi32, #tpu.memory_space<vmem>>) semaphore(%arg14 : memref<!tpu.dma_semaphore, #tpu.memory_space<semaphore_mem>>)
      %rem3A_250 = arith.constant 4 : i32
      %rem3A_251 = arith.remsi %add3A_115, %rem3A_250 : i32
      %eq3A_252 = arith.constant 0 : i32
      %eq3A_253 = arith.cmpi eq, %rem3A_251, %eq3A_252 : i32
      %gt3A = arith.constant 0 : i32
      %gt3A_254 = arith.cmpi sgt, %add3A_115, %gt3A : i32
      %and3A_255 = arith.andi %eq3A_253, %gt3A_254 : i1
      %lt3A_256 = arith.constant 9 : i32
      %lt3A_257 = arith.cmpi slt, %select_n3A, %lt3A_256 : i32
      %and3A_258 = arith.andi %and3A_255, %lt3A_257 : i1
      %convert_element_type3A_259 = arith.extui %and3A_258 : i1 to i32
      %cond3A_260 = arith.constant 0 : i32
      %cond3A_261 = arith.cmpi ne, %convert_element_type3A_259, %cond3A_260 : i32
      scf.if %cond3A_261 {
        %add3A_262 = arith.constant 1 : i32
        %add3A_263 = arith.addi %select_n3A, %add3A_262 : i32
        %rem3A_264 = arith.constant 2 : i32
        %rem3A_265 = arith.remsi %add3A_263, %rem3A_264 : i32
        %add3A_266 = arith.constant 1 : i32
        %add3A_267 = arith.addi %select_n3A, %add3A_266 : i32
        %dma_start3A_268 = arith.constant 0 : i32
        %dma_start3A_269 = arith.constant 0 : i32
        %dma_start3A_270 = tpu.memref_slice %arg8[%rem3A_265, %dma_start3A_268, %dma_start3A_269] : memref<2x8x128xi32, #tpu.memory_space<vmem>> -> memref<1x8x128xi32, #tpu.memory_space<vmem>>
        %dma_start3A_271 = tpu.memref_squeeze %dma_start3A_270 : memref<1x8x128xi32, #tpu.memory_space<vmem>> -> memref<8x128xi32, #tpu.memory_space<vmem>>
        %dma_start3A_272 = arith.constant 0 : i32
        %dma_start3A_273 = arith.constant 0 : i32
        %dma_start3A_274 = tpu.memref_slice %arg3[%add3A, %add3A_267, %dma_start3A_272, %dma_start3A_273] : memref<32x10x8x128xi32, #tpu.memory_space<hbm>> -> memref<1x1x8x128xi32, #tpu.memory_space<hbm>>
        %dma_start3A_275 = tpu.memref_squeeze %dma_start3A_274 : memref<1x1x8x128xi32, #tpu.memory_space<hbm>> -> memref<8x128xi32, #tpu.memory_space<hbm>>
        %dma_start3A_276 = arith.constant 0 : i32
        %dma_start3A_277 = arith.constant 0 : i32
        %dma_start3A_278 = tpu.memref_slice %arg8[%rem3A_265, %dma_start3A_276, %dma_start3A_277] : memref<2x8x128xi32, #tpu.memory_space<vmem>> -> memref<1x8x128xi32, #tpu.memory_space<vmem>>
        %dma_start3A_279 = tpu.memref_squeeze %dma_start3A_278 : memref<1x8x128xi32, #tpu.memory_space<vmem>> -> memref<8x128xi32, #tpu.memory_space<vmem>>
        %dma_start3A_280 = arith.constant 0 : i32
        %dma_start3A_281 = arith.constant 0 : i32
        %dma_start3A_282 = tpu.memref_slice %arg3[%add3A, %add3A_267, %dma_start3A_280, %dma_start3A_281] : memref<32x10x8x128xi32, #tpu.memory_space<hbm>> -> memref<1x1x8x128xi32, #tpu.memory_space<hbm>>
        %dma_start3A_283 = tpu.memref_squeeze %dma_start3A_282 : memref<1x1x8x128xi32, #tpu.memory_space<hbm>> -> memref<8x128xi32, #tpu.memory_space<hbm>>
        tpu.enqueue_dma source(%dma_start3A_283 : memref<8x128xi32, #tpu.memory_space<hbm>>) target(%dma_start3A_279 : memref<8x128xi32, #tpu.memory_space<vmem>>) target_semaphore(%arg17 : memref<!tpu.dma_semaphore, #tpu.memory_space<semaphore_mem>>)
        %add3A_284 = arith.constant 1 : i32
        %add3A_285 = arith.addi %select_n3A, %add3A_284 : i32
        %dma_start3A_286 = arith.constant 0 : i32
        %dma_start3A_287 = arith.constant 0 : i32
        %dma_start3A_288 = tpu.memref_slice %arg9[%rem3A_265, %dma_start3A_286, %dma_start3A_287] : memref<2x8x128xi32, #tpu.memory_space<vmem>> -> memref<1x8x128xi32, #tpu.memory_space<vmem>>
        %dma_start3A_289 = tpu.memref_squeeze %dma_start3A_288 : memref<1x8x128xi32, #tpu.memory_space<vmem>> -> memref<8x128xi32, #tpu.memory_space<vmem>>
        %dma_start3A_290 = arith.constant 0 : i32
        %dma_start3A_291 = arith.constant 0 : i32
        %dma_start3A_292 = tpu.memref_slice %arg4[%add3A, %add3A_285, %dma_start3A_290, %dma_start3A_291] : memref<32x10x8x128xi32, #tpu.memory_space<hbm>> -> memref<1x1x8x128xi32, #tpu.memory_space<hbm>>
        %dma_start3A_293 = tpu.memref_squeeze %dma_start3A_292 : memref<1x1x8x128xi32, #tpu.memory_space<hbm>> -> memref<8x128xi32, #tpu.memory_space<hbm>>
        %dma_start3A_294 = arith.constant 0 : i32
        %dma_start3A_295 = arith.constant 0 : i32
        %dma_start3A_296 = tpu.memref_slice %arg9[%rem3A_265, %dma_start3A_294, %dma_start3A_295] : memref<2x8x128xi32, #tpu.memory_space<vmem>> -> memref<1x8x128xi32, #tpu.memory_space<vmem>>
        %dma_start3A_297 = tpu.memref_squeeze %dma_start3A_296 : memref<1x8x128xi32, #tpu.memory_space<vmem>> -> memref<8x128xi32, #tpu.memory_space<vmem>>
        %dma_start3A_298 = arith.constant 0 : i32
        %dma_start3A_299 = arith.constant 0 : i32
        %dma_start3A_300 = tpu.memref_slice %arg4[%add3A, %add3A_285, %dma_start3A_298, %dma_start3A_299] : memref<32x10x8x128xi32, #tpu.memory_space<hbm>> -> memref<1x1x8x128xi32, #tpu.memory_space<hbm>>
        %dma_start3A_301 = tpu.memref_squeeze %dma_start3A_300 : memref<1x1x8x128xi32, #tpu.memory_space<hbm>> -> memref<8x128xi32, #tpu.memory_space<hbm>>
        tpu.enqueue_dma source(%dma_start3A_301 : memref<8x128xi32, #tpu.memory_space<hbm>>) target(%dma_start3A_297 : memref<8x128xi32, #tpu.memory_space<vmem>>) target_semaphore(%arg17 : memref<!tpu.dma_semaphore, #tpu.memory_space<semaphore_mem>>)
      } else {
      }
    }
    %scan3A_60 = arith.constant 39 : i32
    %rem3A = arith.constant 9 : i32
    %rem3A_61 = arith.constant 2 : i32
    %rem3A_62 = arith.remsi %rem3A, %rem3A_61 : i32
    %dma_wait3A = arith.constant 0 : i32
    %dma_wait3A_63 = arith.constant 0 : i32
    %dma_wait3A_64 = arith.constant 0 : i32
    %dma_wait3A_65 = tpu.memref_slice %arg8[%dma_wait3A, %dma_wait3A_63, %dma_wait3A_64] : memref<2x8x128xi32, #tpu.memory_space<vmem>> -> memref<1x1x128xi32, #tpu.memory_space<vmem>>
    %dma_wait3A_66 = tpu.memref_squeeze %dma_wait3A_65 : memref<1x1x128xi32, #tpu.memory_space<vmem>> -> memref<128xi32, #tpu.memory_space<vmem>>
    %dma_wait3A_67 = arith.constant 0 : i32
    %dma_wait3A_68 = arith.constant 0 : i32
    %dma_wait3A_69 = tpu.memref_slice %arg2[%dma_wait3A_67, %dma_wait3A_68] : memref<10128x144xf32, #tpu.memory_space<hbm>> -> memref<10128x144xf32, #tpu.memory_space<hbm>>
    tpu.wait_indirect_dma semaphore(%arg13 : memref<!tpu.dma_semaphore, #tpu.memory_space<semaphore_mem>>) src(%dma_wait3A_69 : memref<10128x144xf32, #tpu.memory_space<hbm>>) dst(%arg10 : memref<128x144xf32, #tpu.memory_space<vmem>>)
    %dma_start3A_70 = arith.constant 6 : i32
    %dma_start3A_71 = arith.constant 0 : i32
    %dma_start3A_72 = tpu.memref_slice %arg9[%rem3A_62, %dma_start3A_70, %dma_start3A_71] : memref<2x8x128xi32, #tpu.memory_space<vmem>> -> memref<1x1x128xi32, #tpu.memory_space<vmem>>
    %dma_start3A_73 = tpu.memref_squeeze %dma_start3A_72 : memref<1x1x128xi32, #tpu.memory_space<vmem>> -> memref<128xi32, #tpu.memory_space<vmem>>
    %dma_start3A_74 = arith.constant 0 : i32
    %dma_start3A_75 = arith.constant 0 : i32
    %dma_start3A_76 = tpu.memref_slice %arg12[%dma_start3A_74, %dma_start3A_75] : memref<10000x144xf32, #tpu.memory_space<vmem_shared>> -> memref<10000x144xf32, #tpu.memory_space<vmem_shared>>
    tpu.enqueue_indirect_dma source(%arg10 : memref<128x144xf32, #tpu.memory_space<vmem>>) target(%dma_start3A_76 : memref<10000x144xf32, #tpu.memory_space<vmem_shared>>) offsets(%dma_start3A_73 : memref<128xi32, #tpu.memory_space<vmem>>) semaphore(%arg15 : memref<!tpu.dma_semaphore, #tpu.memory_space<semaphore_mem>>) {add = true}
    %dma_wait3A_77 = arith.constant 0 : i32
    %dma_wait3A_78 = arith.constant 0 : i32
    %dma_wait3A_79 = arith.constant 0 : i32
    %dma_wait3A_80 = tpu.memref_slice %arg8[%dma_wait3A_77, %dma_wait3A_78, %dma_wait3A_79] : memref<2x8x128xi32, #tpu.memory_space<vmem>> -> memref<1x1x128xi32, #tpu.memory_space<vmem>>
    %dma_wait3A_81 = tpu.memref_squeeze %dma_wait3A_80 : memref<1x1x128xi32, #tpu.memory_space<vmem>> -> memref<128xi32, #tpu.memory_space<vmem>>
    %dma_wait3A_82 = arith.constant 0 : i32
    %dma_wait3A_83 = arith.constant 0 : i32
    %dma_wait3A_84 = tpu.memref_slice %arg2[%dma_wait3A_82, %dma_wait3A_83] : memref<10128x144xf32, #tpu.memory_space<hbm>> -> memref<10128x144xf32, #tpu.memory_space<hbm>>
    tpu.wait_indirect_dma semaphore(%arg14 : memref<!tpu.dma_semaphore, #tpu.memory_space<semaphore_mem>>) src(%dma_wait3A_84 : memref<10128x144xf32, #tpu.memory_space<hbm>>) dst(%arg11 : memref<128x144xf32, #tpu.memory_space<vmem>>)
    %dma_start3A_85 = arith.constant 7 : i32
    %dma_start3A_86 = arith.constant 0 : i32
    %dma_start3A_87 = tpu.memref_slice %arg9[%rem3A_62, %dma_start3A_85, %dma_start3A_86] : memref<2x8x128xi32, #tpu.memory_space<vmem>> -> memref<1x1x128xi32, #tpu.memory_space<vmem>>
    %dma_start3A_88 = tpu.memref_squeeze %dma_start3A_87 : memref<1x1x128xi32, #tpu.memory_space<vmem>> -> memref<128xi32, #tpu.memory_space<vmem>>
    %dma_start3A_89 = arith.constant 0 : i32
    %dma_start3A_90 = arith.constant 0 : i32
    %dma_start3A_91 = tpu.memref_slice %arg12[%dma_start3A_89, %dma_start3A_90] : memref<10000x144xf32, #tpu.memory_space<vmem_shared>> -> memref<10000x144xf32, #tpu.memory_space<vmem_shared>>
    tpu.enqueue_indirect_dma source(%arg11 : memref<128x144xf32, #tpu.memory_space<vmem>>) target(%dma_start3A_91 : memref<10000x144xf32, #tpu.memory_space<vmem_shared>>) offsets(%dma_start3A_88 : memref<128xi32, #tpu.memory_space<vmem>>) semaphore(%arg16 : memref<!tpu.dma_semaphore, #tpu.memory_space<semaphore_mem>>) {add = true}
    %dma_wait3A_92 = arith.constant 0 : i32
    %dma_wait3A_93 = arith.constant 0 : i32
    %dma_wait3A_94 = arith.constant 0 : i32
    %dma_wait3A_95 = tpu.memref_slice %arg9[%dma_wait3A_92, %dma_wait3A_93, %dma_wait3A_94] : memref<2x8x128xi32, #tpu.memory_space<vmem>> -> memref<1x1x128xi32, #tpu.memory_space<vmem>>
    %dma_wait3A_96 = tpu.memref_squeeze %dma_wait3A_95 : memref<1x1x128xi32, #tpu.memory_space<vmem>> -> memref<128xi32, #tpu.memory_space<vmem>>
    %dma_wait3A_97 = arith.constant 0 : i32
    %dma_wait3A_98 = arith.constant 0 : i32
    %dma_wait3A_99 = tpu.memref_slice %arg12[%dma_wait3A_97, %dma_wait3A_98] : memref<10000x144xf32, #tpu.memory_space<vmem_shared>> -> memref<10000x144xf32, #tpu.memory_space<vmem_shared>>
    tpu.wait_indirect_dma semaphore(%arg15 : memref<!tpu.dma_semaphore, #tpu.memory_space<semaphore_mem>>) src(%arg10 : memref<128x144xf32, #tpu.memory_space<vmem>>) dst(%dma_wait3A_99 : memref<10000x144xf32, #tpu.memory_space<vmem_shared>>)
    %dma_wait3A_100 = arith.constant 0 : i32
    %dma_wait3A_101 = arith.constant 0 : i32
    %dma_wait3A_102 = arith.constant 0 : i32
    %dma_wait3A_103 = tpu.memref_slice %arg9[%dma_wait3A_100, %dma_wait3A_101, %dma_wait3A_102] : memref<2x8x128xi32, #tpu.memory_space<vmem>> -> memref<1x1x128xi32, #tpu.memory_space<vmem>>
    %dma_wait3A_104 = tpu.memref_squeeze %dma_wait3A_103 : memref<1x1x128xi32, #tpu.memory_space<vmem>> -> memref<128xi32, #tpu.memory_space<vmem>>
    %dma_wait3A_105 = arith.constant 0 : i32
    %dma_wait3A_106 = arith.constant 0 : i32
    %dma_wait3A_107 = tpu.memref_slice %arg12[%dma_wait3A_105, %dma_wait3A_106] : memref<10000x144xf32, #tpu.memory_space<vmem_shared>> -> memref<10000x144xf32, #tpu.memory_space<vmem_shared>>
    tpu.wait_indirect_dma semaphore(%arg16 : memref<!tpu.dma_semaphore, #tpu.memory_space<semaphore_mem>>) src(%arg11 : memref<128x144xf32, #tpu.memory_space<vmem>>) dst(%dma_wait3A_107 : memref<10000x144xf32, #tpu.memory_space<vmem_shared>>)
    %barrier3A_108 = arith.constant 0 : index
    tpu.barrier barrier_id(%barrier3A_108)
    %mul3A_109 = arith.constant 625 : i32
    %mul3A_110 = arith.muli %arg1, %mul3A_109 : i32
    "tpu.region"() ({
      %run_scoped3A_111 = tpu.sem_alloc : memref<!tpu.dma_semaphore, #tpu.memory_space<semaphore_mem>>
      %dma_start3A_112 = arith.constant 0 : i32
      %dma_start3A_113 = arith.constant 0 : i32
      %dma_start3A_114 = tpu.memref_slice %arg6[%arg0, %dma_start3A_112, %dma_start3A_113] : memref<2x10000x128xf32, #tpu.memory_space<hbm>> -> memref<1x10000x128xf32, #tpu.memory_space<hbm>>
      %dma_start3A_115 = tpu.memref_squeeze %dma_start3A_114 : memref<1x10000x128xf32, #tpu.memory_space<hbm>> -> memref<10000x128xf32, #tpu.memory_space<hbm>>
      %dma_start3A_116 = arith.constant 0 : i32
      %dma_start3A_117 = tpu.memref_slice %dma_start3A_115[%mul3A_110, %dma_start3A_116] : memref<10000x128xf32, #tpu.memory_space<hbm>> -> memref<625x128xf32, #tpu.memory_space<hbm>>
      %dma_start3A_118 = arith.constant 0 : i32
      %dma_start3A_119 = tpu.memref_slice %arg12[%mul3A_110, %dma_start3A_118] : memref<10000x144xf32, #tpu.memory_space<vmem_shared>> -> memref<625x128xf32, #tpu.memory_space<vmem_shared>>
      tpu.enqueue_dma source(%dma_start3A_119 : memref<625x128xf32, #tpu.memory_space<vmem_shared>>) target(%dma_start3A_117 : memref<625x128xf32, #tpu.memory_space<hbm>>) target_semaphore(%run_scoped3A_111 : memref<!tpu.dma_semaphore, #tpu.memory_space<semaphore_mem>>)
      %dma_wait3A_120 = arith.constant 0 : i32
      %dma_wait3A_121 = arith.constant 0 : i32
      %dma_wait3A_122 = tpu.memref_slice %arg6[%arg0, %dma_wait3A_120, %dma_wait3A_121] : memref<2x10000x128xf32, #tpu.memory_space<hbm>> -> memref<1x10000x128xf32, #tpu.memory_space<hbm>>
      %dma_wait3A_123 = tpu.memref_squeeze %dma_wait3A_122 : memref<1x10000x128xf32, #tpu.memory_space<hbm>> -> memref<10000x128xf32, #tpu.memory_space<hbm>>
      %dma_wait3A_124 = arith.constant 0 : i32
      %dma_wait3A_125 = tpu.memref_slice %dma_wait3A_123[%mul3A_110, %dma_wait3A_124] : memref<10000x128xf32, #tpu.memory_space<hbm>> -> memref<625x128xf32, #tpu.memory_space<hbm>>
      %dma_wait3A_126 = arith.constant 0 : i32
      %dma_wait3A_127 = tpu.memref_slice %arg12[%mul3A_110, %dma_wait3A_126] : memref<10000x144xf32, #tpu.memory_space<vmem_shared>> -> memref<625x128xf32, #tpu.memory_space<vmem_shared>>
      tpu.wait_dma2 semaphore(%run_scoped3A_111 : memref<!tpu.dma_semaphore, #tpu.memory_space<semaphore_mem>>) src(%dma_wait3A_127 : memref<625x128xf32, #tpu.memory_space<vmem_shared>>) dst(%dma_wait3A_125 : memref<625x128xf32, #tpu.memory_space<hbm>>)
      tpu.yield
    }) : () -> ()
    "tpu.region"() ({
      %run_scoped3A_111 = tpu.sem_alloc : memref<!tpu.dma_semaphore, #tpu.memory_space<semaphore_mem>>
      %dma_start3A_112 = arith.constant 0 : i32
      %dma_start3A_113 = arith.constant 0 : i32
      %dma_start3A_114 = tpu.memref_slice %arg7[%arg0, %dma_start3A_112, %dma_start3A_113] : memref<2x10000x16xf32, #tpu.memory_space<hbm>> -> memref<1x10000x16xf32, #tpu.memory_space<hbm>>
      %dma_start3A_115 = tpu.memref_squeeze %dma_start3A_114 : memref<1x10000x16xf32, #tpu.memory_space<hbm>> -> memref<10000x16xf32, #tpu.memory_space<hbm>>
      %dma_start3A_116 = arith.constant 0 : i32
      %dma_start3A_117 = tpu.memref_slice %dma_start3A_115[%mul3A_110, %dma_start3A_116] : memref<10000x16xf32, #tpu.memory_space<hbm>> -> memref<625x16xf32, #tpu.memory_space<hbm>>
      %dma_start3A_118 = arith.constant 128 : i32
      %dma_start3A_119 = tpu.memref_slice %arg12[%mul3A_110, %dma_start3A_118] : memref<10000x144xf32, #tpu.memory_space<vmem_shared>> -> memref<625x16xf32, #tpu.memory_space<vmem_shared>>
      tpu.enqueue_dma source(%dma_start3A_119 : memref<625x16xf32, #tpu.memory_space<vmem_shared>>) target(%dma_start3A_117 : memref<625x16xf32, #tpu.memory_space<hbm>>) target_semaphore(%run_scoped3A_111 : memref<!tpu.dma_semaphore, #tpu.memory_space<semaphore_mem>>)
      %dma_wait3A_120 = arith.constant 0 : i32
      %dma_wait3A_121 = arith.constant 0 : i32
      %dma_wait3A_122 = tpu.memref_slice %arg7[%arg0, %dma_wait3A_120, %dma_wait3A_121] : memref<2x10000x16xf32, #tpu.memory_space<hbm>> -> memref<1x10000x16xf32, #tpu.memory_space<hbm>>
      %dma_wait3A_123 = tpu.memref_squeeze %dma_wait3A_122 : memref<1x10000x16xf32, #tpu.memory_space<hbm>> -> memref<10000x16xf32, #tpu.memory_space<hbm>>
      %dma_wait3A_124 = arith.constant 0 : i32
      %dma_wait3A_125 = tpu.memref_slice %dma_wait3A_123[%mul3A_110, %dma_wait3A_124] : memref<10000x16xf32, #tpu.memory_space<hbm>> -> memref<625x16xf32, #tpu.memory_space<hbm>>
      %dma_wait3A_126 = arith.constant 128 : i32
      %dma_wait3A_127 = tpu.memref_slice %arg12[%mul3A_110, %dma_wait3A_126] : memref<10000x144xf32, #tpu.memory_space<vmem_shared>> -> memref<625x16xf32, #tpu.memory_space<vmem_shared>>
      tpu.wait_dma2 semaphore(%run_scoped3A_111 : memref<!tpu.dma_semaphore, #tpu.memory_space<semaphore_mem>>) src(%dma_wait3A_127 : memref<625x16xf32, #tpu.memory_space<vmem_shared>>) dst(%dma_wait3A_125 : memref<625x16xf32, #tpu.memory_space<hbm>>)
      tpu.yield
    }) : () -> ()
    return
  }
}

#map = affine_map<(d0, d1) -> (0, 0)>
module attributes {stable_mosaic.version = 14 : i64} {
  func.func @k(%arg0: i32, %arg1: i32, %arg2: memref<10000x128xf32, #tpu.memory_space<hbm>>, %arg3: memref<800x128xi32, #tpu.memory_space<hbm>>, %arg4: memref<800x128xi32, #tpu.memory_space<hbm>>, %arg5: memref<102400x128xf32, #tpu.memory_space<hbm>>, %arg6: memref<102400x128xf32, #tpu.memory_space<hbm>>, %arg7: memref<25x128xi32, #tpu.memory_space<vmem>>, %arg8: memref<25x128xi32, #tpu.memory_space<vmem>>, %arg9: memref<128x128xf32, #tpu.memory_space<vmem>>, %arg10: memref<128x128xf32, #tpu.memory_space<vmem>>, %arg11: memref<!tpu.dma_semaphore, #tpu.memory_space<semaphore_mem>>, %arg12: memref<!tpu.dma_semaphore, #tpu.memory_space<semaphore_mem>>, %arg13: memref<!tpu.dma_semaphore, #tpu.memory_space<semaphore_mem>>, %arg14: memref<!tpu.dma_semaphore, #tpu.memory_space<semaphore_mem>>) attributes {dimension_semantics = [#tpu.dimension_semantics<core_parallel>, #tpu.dimension_semantics<subcore_parallel>], iteration_bounds = array<i64: 2, 16>, scalar_prefetch = 0 : i64, scratch_operands = 8 : i64, tpu.core_type = #tpu.core_type<sc_vector_subcore>, window_params = [{transform_indices = #map}, {transform_indices = #map}, {transform_indices = #map}, {transform_indices = #map}, {transform_indices = #map}]} {
    %mul3A = arith.constant 2 : i32
    %mul3A_0 = arith.muli %arg1, %mul3A : i32
    %add3A = arith.addi %mul3A_0, %arg0 : i32
    %mul3A_1 = arith.constant 3200 : i32
    %mul3A_2 = arith.muli %add3A, %mul3A_1 : i32
    %mul3A_3 = arith.constant 25 : i32
    %mul3A_4 = arith.muli %add3A, %mul3A_3 : i32
    "tpu.region"() ({
      %run_scoped3A = tpu.sem_alloc : memref<!tpu.dma_semaphore, #tpu.memory_space<semaphore_mem>>
      %dma_start3A_55 = arith.constant 0 : i32
      %dma_start3A_56 = tpu.memref_slice %arg3[%mul3A_4, %dma_start3A_55] : memref<800x128xi32, #tpu.memory_space<hbm>> -> memref<25x128xi32, #tpu.memory_space<hbm>>
      %dma_start3A_57 = arith.constant 0 : i32
      %dma_start3A_58 = tpu.memref_slice %arg3[%mul3A_4, %dma_start3A_57] : memref<800x128xi32, #tpu.memory_space<hbm>> -> memref<25x128xi32, #tpu.memory_space<hbm>>
      tpu.enqueue_dma source(%dma_start3A_58 : memref<25x128xi32, #tpu.memory_space<hbm>>) target(%arg7 : memref<25x128xi32, #tpu.memory_space<vmem>>) target_semaphore(%run_scoped3A : memref<!tpu.dma_semaphore, #tpu.memory_space<semaphore_mem>>)
      %dma_wait3A_59 = arith.constant 0 : i32
      %dma_wait3A_60 = tpu.memref_slice %arg3[%mul3A_4, %dma_wait3A_59] : memref<800x128xi32, #tpu.memory_space<hbm>> -> memref<25x128xi32, #tpu.memory_space<hbm>>
      %dma_wait3A_61 = arith.constant 0 : i32
      %dma_wait3A_62 = tpu.memref_slice %arg3[%mul3A_4, %dma_wait3A_61] : memref<800x128xi32, #tpu.memory_space<hbm>> -> memref<25x128xi32, #tpu.memory_space<hbm>>
      tpu.wait_dma2 semaphore(%run_scoped3A : memref<!tpu.dma_semaphore, #tpu.memory_space<semaphore_mem>>) src(%dma_wait3A_62 : memref<25x128xi32, #tpu.memory_space<hbm>>) dst(%arg7 : memref<25x128xi32, #tpu.memory_space<vmem>>)
      tpu.yield
    }) : () -> ()
    %mul3A_5 = arith.constant 25 : i32
    %mul3A_6 = arith.muli %add3A, %mul3A_5 : i32
    "tpu.region"() ({
      %run_scoped3A = tpu.sem_alloc : memref<!tpu.dma_semaphore, #tpu.memory_space<semaphore_mem>>
      %dma_start3A_55 = arith.constant 0 : i32
      %dma_start3A_56 = tpu.memref_slice %arg4[%mul3A_6, %dma_start3A_55] : memref<800x128xi32, #tpu.memory_space<hbm>> -> memref<25x128xi32, #tpu.memory_space<hbm>>
      %dma_start3A_57 = arith.constant 0 : i32
      %dma_start3A_58 = tpu.memref_slice %arg4[%mul3A_6, %dma_start3A_57] : memref<800x128xi32, #tpu.memory_space<hbm>> -> memref<25x128xi32, #tpu.memory_space<hbm>>
      tpu.enqueue_dma source(%dma_start3A_58 : memref<25x128xi32, #tpu.memory_space<hbm>>) target(%arg8 : memref<25x128xi32, #tpu.memory_space<vmem>>) target_semaphore(%run_scoped3A : memref<!tpu.dma_semaphore, #tpu.memory_space<semaphore_mem>>)
      %dma_wait3A_59 = arith.constant 0 : i32
      %dma_wait3A_60 = tpu.memref_slice %arg4[%mul3A_6, %dma_wait3A_59] : memref<800x128xi32, #tpu.memory_space<hbm>> -> memref<25x128xi32, #tpu.memory_space<hbm>>
      %dma_wait3A_61 = arith.constant 0 : i32
      %dma_wait3A_62 = tpu.memref_slice %arg4[%mul3A_6, %dma_wait3A_61] : memref<800x128xi32, #tpu.memory_space<hbm>> -> memref<25x128xi32, #tpu.memory_space<hbm>>
      tpu.wait_dma2 semaphore(%run_scoped3A : memref<!tpu.dma_semaphore, #tpu.memory_space<semaphore_mem>>) src(%dma_wait3A_62 : memref<25x128xi32, #tpu.memory_space<hbm>>) dst(%arg8 : memref<25x128xi32, #tpu.memory_space<vmem>>)
      tpu.yield
    }) : () -> ()
    %dma_start3A = arith.constant 0 : i32
    %dma_start3A_7 = arith.constant 0 : i32
    %dma_start3A_8 = tpu.memref_slice %arg7[%dma_start3A, %dma_start3A_7] : memref<25x128xi32, #tpu.memory_space<vmem>> -> memref<1x128xi32, #tpu.memory_space<vmem>>
    %dma_start3A_9 = tpu.memref_squeeze %dma_start3A_8 : memref<1x128xi32, #tpu.memory_space<vmem>> -> memref<128xi32, #tpu.memory_space<vmem>>
    %dma_start3A_10 = arith.constant 0 : i32
    %dma_start3A_11 = arith.constant 0 : i32
    %dma_start3A_12 = tpu.memref_slice %arg2[%dma_start3A_10, %dma_start3A_11] : memref<10000x128xf32, #tpu.memory_space<hbm>> -> memref<10000x128xf32, #tpu.memory_space<hbm>>
    tpu.enqueue_indirect_dma source(%dma_start3A_12 : memref<10000x128xf32, #tpu.memory_space<hbm>>) target(%arg9 : memref<128x128xf32, #tpu.memory_space<vmem>>) offsets(%dma_start3A_9 : memref<128xi32, #tpu.memory_space<vmem>>) semaphore(%arg11 : memref<!tpu.dma_semaphore, #tpu.memory_space<semaphore_mem>>)
    %dma_start3A_13 = arith.constant 0 : i32
    %dma_start3A_14 = arith.constant 0 : i32
    %dma_start3A_15 = tpu.memref_slice %arg8[%dma_start3A_13, %dma_start3A_14] : memref<25x128xi32, #tpu.memory_space<vmem>> -> memref<1x128xi32, #tpu.memory_space<vmem>>
    %dma_start3A_16 = tpu.memref_squeeze %dma_start3A_15 : memref<1x128xi32, #tpu.memory_space<vmem>> -> memref<128xi32, #tpu.memory_space<vmem>>
    %dma_start3A_17 = arith.constant 0 : i32
    %dma_start3A_18 = arith.constant 0 : i32
    %dma_start3A_19 = tpu.memref_slice %arg2[%dma_start3A_17, %dma_start3A_18] : memref<10000x128xf32, #tpu.memory_space<hbm>> -> memref<10000x128xf32, #tpu.memory_space<hbm>>
    tpu.enqueue_indirect_dma source(%dma_start3A_19 : memref<10000x128xf32, #tpu.memory_space<hbm>>) target(%arg10 : memref<128x128xf32, #tpu.memory_space<vmem>>) offsets(%dma_start3A_16 : memref<128xi32, #tpu.memory_space<vmem>>) semaphore(%arg12 : memref<!tpu.dma_semaphore, #tpu.memory_space<semaphore_mem>>)
    %scan3A = arith.constant 0 : i32
    %scan3A_20 = arith.constant 24 : i32
    %scan3A_21 = arith.addi %scan3A, %scan3A_20 : i32
    %scan3A_22 = arith.constant 1 : i32
    scf.for %scan3A_55 = %scan3A to %scan3A_21 step %scan3A_22  : i32 {
      %mul3A_56 = arith.constant 1 : i32
      %mul3A_57 = arith.muli %scan3A_55, %mul3A_56 : i32
      %add3A_58 = arith.constant 0 : i32
      %add3A_59 = arith.addi %add3A_58, %mul3A_57 : i32
      %mul3A_60 = arith.constant 128 : i32
      %mul3A_61 = arith.muli %add3A_59, %mul3A_60 : i32
      %add3A_62 = arith.addi %mul3A_2, %mul3A_61 : i32
      %dma_wait3A_63 = arith.constant 0 : i32
      %dma_wait3A_64 = arith.constant 0 : i32
      %dma_wait3A_65 = tpu.memref_slice %arg7[%dma_wait3A_63, %dma_wait3A_64] : memref<25x128xi32, #tpu.memory_space<vmem>> -> memref<1x128xi32, #tpu.memory_space<vmem>>
      %dma_wait3A_66 = tpu.memref_squeeze %dma_wait3A_65 : memref<1x128xi32, #tpu.memory_space<vmem>> -> memref<128xi32, #tpu.memory_space<vmem>>
      %dma_wait3A_67 = arith.constant 0 : i32
      %dma_wait3A_68 = arith.constant 0 : i32
      %dma_wait3A_69 = tpu.memref_slice %arg2[%dma_wait3A_67, %dma_wait3A_68] : memref<10000x128xf32, #tpu.memory_space<hbm>> -> memref<10000x128xf32, #tpu.memory_space<hbm>>
      tpu.wait_indirect_dma semaphore(%arg11 : memref<!tpu.dma_semaphore, #tpu.memory_space<semaphore_mem>>) src(%dma_wait3A_69 : memref<10000x128xf32, #tpu.memory_space<hbm>>) dst(%arg9 : memref<128x128xf32, #tpu.memory_space<vmem>>)
      %dma_start3A_70 = arith.constant 0 : i32
      %dma_start3A_71 = tpu.memref_slice %arg5[%add3A_62, %dma_start3A_70] : memref<102400x128xf32, #tpu.memory_space<hbm>> -> memref<128x128xf32, #tpu.memory_space<hbm>>
      %dma_start3A_72 = arith.constant 0 : i32
      %dma_start3A_73 = tpu.memref_slice %arg5[%add3A_62, %dma_start3A_72] : memref<102400x128xf32, #tpu.memory_space<hbm>> -> memref<128x128xf32, #tpu.memory_space<hbm>>
      tpu.enqueue_dma source(%arg9 : memref<128x128xf32, #tpu.memory_space<vmem>>) target(%dma_start3A_73 : memref<128x128xf32, #tpu.memory_space<hbm>>) target_semaphore(%arg13 : memref<!tpu.dma_semaphore, #tpu.memory_space<semaphore_mem>>)
      %dma_wait3A_74 = arith.constant 0 : i32
      %dma_wait3A_75 = arith.constant 0 : i32
      %dma_wait3A_76 = tpu.memref_slice %arg7[%dma_wait3A_74, %dma_wait3A_75] : memref<25x128xi32, #tpu.memory_space<vmem>> -> memref<1x128xi32, #tpu.memory_space<vmem>>
      %dma_wait3A_77 = tpu.memref_squeeze %dma_wait3A_76 : memref<1x128xi32, #tpu.memory_space<vmem>> -> memref<128xi32, #tpu.memory_space<vmem>>
      %dma_wait3A_78 = arith.constant 0 : i32
      %dma_wait3A_79 = arith.constant 0 : i32
      %dma_wait3A_80 = tpu.memref_slice %arg2[%dma_wait3A_78, %dma_wait3A_79] : memref<10000x128xf32, #tpu.memory_space<hbm>> -> memref<10000x128xf32, #tpu.memory_space<hbm>>
      tpu.wait_indirect_dma semaphore(%arg12 : memref<!tpu.dma_semaphore, #tpu.memory_space<semaphore_mem>>) src(%dma_wait3A_80 : memref<10000x128xf32, #tpu.memory_space<hbm>>) dst(%arg10 : memref<128x128xf32, #tpu.memory_space<vmem>>)
      %dma_start3A_81 = arith.constant 0 : i32
      %dma_start3A_82 = tpu.memref_slice %arg6[%add3A_62, %dma_start3A_81] : memref<102400x128xf32, #tpu.memory_space<hbm>> -> memref<128x128xf32, #tpu.memory_space<hbm>>
      %dma_start3A_83 = arith.constant 0 : i32
      %dma_start3A_84 = tpu.memref_slice %arg6[%add3A_62, %dma_start3A_83] : memref<102400x128xf32, #tpu.memory_space<hbm>> -> memref<128x128xf32, #tpu.memory_space<hbm>>
      tpu.enqueue_dma source(%arg10 : memref<128x128xf32, #tpu.memory_space<vmem>>) target(%dma_start3A_84 : memref<128x128xf32, #tpu.memory_space<hbm>>) target_semaphore(%arg14 : memref<!tpu.dma_semaphore, #tpu.memory_space<semaphore_mem>>)
      %dma_wait3A_85 = arith.constant 0 : i32
      %dma_wait3A_86 = tpu.memref_slice %arg5[%mul3A_2, %dma_wait3A_85] : memref<102400x128xf32, #tpu.memory_space<hbm>> -> memref<128x128xf32, #tpu.memory_space<hbm>>
      %dma_wait3A_87 = arith.constant 0 : i32
      %dma_wait3A_88 = tpu.memref_slice %arg5[%mul3A_2, %dma_wait3A_87] : memref<102400x128xf32, #tpu.memory_space<hbm>> -> memref<128x128xf32, #tpu.memory_space<hbm>>
      tpu.wait_dma2 semaphore(%arg13 : memref<!tpu.dma_semaphore, #tpu.memory_space<semaphore_mem>>) src(%arg9 : memref<128x128xf32, #tpu.memory_space<vmem>>) dst(%dma_wait3A_88 : memref<128x128xf32, #tpu.memory_space<hbm>>)
      %add3A_89 = arith.constant 1 : i32
      %add3A_90 = arith.addi %add3A_59, %add3A_89 : i32
      %dma_start3A_91 = arith.constant 0 : i32
      %dma_start3A_92 = tpu.memref_slice %arg7[%add3A_90, %dma_start3A_91] : memref<25x128xi32, #tpu.memory_space<vmem>> -> memref<1x128xi32, #tpu.memory_space<vmem>>
      %dma_start3A_93 = tpu.memref_squeeze %dma_start3A_92 : memref<1x128xi32, #tpu.memory_space<vmem>> -> memref<128xi32, #tpu.memory_space<vmem>>
      %dma_start3A_94 = arith.constant 0 : i32
      %dma_start3A_95 = arith.constant 0 : i32
      %dma_start3A_96 = tpu.memref_slice %arg2[%dma_start3A_94, %dma_start3A_95] : memref<10000x128xf32, #tpu.memory_space<hbm>> -> memref<10000x128xf32, #tpu.memory_space<hbm>>
      tpu.enqueue_indirect_dma source(%dma_start3A_96 : memref<10000x128xf32, #tpu.memory_space<hbm>>) target(%arg9 : memref<128x128xf32, #tpu.memory_space<vmem>>) offsets(%dma_start3A_93 : memref<128xi32, #tpu.memory_space<vmem>>) semaphore(%arg11 : memref<!tpu.dma_semaphore, #tpu.memory_space<semaphore_mem>>)
      %dma_wait3A_97 = arith.constant 0 : i32
      %dma_wait3A_98 = tpu.memref_slice %arg6[%mul3A_2, %dma_wait3A_97] : memref<102400x128xf32, #tpu.memory_space<hbm>> -> memref<128x128xf32, #tpu.memory_space<hbm>>
      %dma_wait3A_99 = arith.constant 0 : i32
      %dma_wait3A_100 = tpu.memref_slice %arg6[%mul3A_2, %dma_wait3A_99] : memref<102400x128xf32, #tpu.memory_space<hbm>> -> memref<128x128xf32, #tpu.memory_space<hbm>>
      tpu.wait_dma2 semaphore(%arg14 : memref<!tpu.dma_semaphore, #tpu.memory_space<semaphore_mem>>) src(%arg10 : memref<128x128xf32, #tpu.memory_space<vmem>>) dst(%dma_wait3A_100 : memref<128x128xf32, #tpu.memory_space<hbm>>)
      %add3A_101 = arith.constant 1 : i32
      %add3A_102 = arith.addi %add3A_59, %add3A_101 : i32
      %dma_start3A_103 = arith.constant 0 : i32
      %dma_start3A_104 = tpu.memref_slice %arg8[%add3A_102, %dma_start3A_103] : memref<25x128xi32, #tpu.memory_space<vmem>> -> memref<1x128xi32, #tpu.memory_space<vmem>>
      %dma_start3A_105 = tpu.memref_squeeze %dma_start3A_104 : memref<1x128xi32, #tpu.memory_space<vmem>> -> memref<128xi32, #tpu.memory_space<vmem>>
      %dma_start3A_106 = arith.constant 0 : i32
      %dma_start3A_107 = arith.constant 0 : i32
      %dma_start3A_108 = tpu.memref_slice %arg2[%dma_start3A_106, %dma_start3A_107] : memref<10000x128xf32, #tpu.memory_space<hbm>> -> memref<10000x128xf32, #tpu.memory_space<hbm>>
      tpu.enqueue_indirect_dma source(%dma_start3A_108 : memref<10000x128xf32, #tpu.memory_space<hbm>>) target(%arg10 : memref<128x128xf32, #tpu.memory_space<vmem>>) offsets(%dma_start3A_105 : memref<128xi32, #tpu.memory_space<vmem>>) semaphore(%arg12 : memref<!tpu.dma_semaphore, #tpu.memory_space<semaphore_mem>>)
    }
    %scan3A_23 = arith.constant 24 : i32
    %add3A_24 = arith.constant 3072 : i32
    %add3A_25 = arith.addi %mul3A_2, %add3A_24 : i32
    %dma_wait3A = arith.constant 0 : i32
    %dma_wait3A_26 = arith.constant 0 : i32
    %dma_wait3A_27 = tpu.memref_slice %arg7[%dma_wait3A, %dma_wait3A_26] : memref<25x128xi32, #tpu.memory_space<vmem>> -> memref<1x128xi32, #tpu.memory_space<vmem>>
    %dma_wait3A_28 = tpu.memref_squeeze %dma_wait3A_27 : memref<1x128xi32, #tpu.memory_space<vmem>> -> memref<128xi32, #tpu.memory_space<vmem>>
    %dma_wait3A_29 = arith.constant 0 : i32
    %dma_wait3A_30 = arith.constant 0 : i32
    %dma_wait3A_31 = tpu.memref_slice %arg2[%dma_wait3A_29, %dma_wait3A_30] : memref<10000x128xf32, #tpu.memory_space<hbm>> -> memref<10000x128xf32, #tpu.memory_space<hbm>>
    tpu.wait_indirect_dma semaphore(%arg11 : memref<!tpu.dma_semaphore, #tpu.memory_space<semaphore_mem>>) src(%dma_wait3A_31 : memref<10000x128xf32, #tpu.memory_space<hbm>>) dst(%arg9 : memref<128x128xf32, #tpu.memory_space<vmem>>)
    %dma_start3A_32 = arith.constant 0 : i32
    %dma_start3A_33 = tpu.memref_slice %arg5[%add3A_25, %dma_start3A_32] : memref<102400x128xf32, #tpu.memory_space<hbm>> -> memref<128x128xf32, #tpu.memory_space<hbm>>
    %dma_start3A_34 = arith.constant 0 : i32
    %dma_start3A_35 = tpu.memref_slice %arg5[%add3A_25, %dma_start3A_34] : memref<102400x128xf32, #tpu.memory_space<hbm>> -> memref<128x128xf32, #tpu.memory_space<hbm>>
    tpu.enqueue_dma source(%arg9 : memref<128x128xf32, #tpu.memory_space<vmem>>) target(%dma_start3A_35 : memref<128x128xf32, #tpu.memory_space<hbm>>) target_semaphore(%arg13 : memref<!tpu.dma_semaphore, #tpu.memory_space<semaphore_mem>>)
    %dma_wait3A_36 = arith.constant 0 : i32
    %dma_wait3A_37 = arith.constant 0 : i32
    %dma_wait3A_38 = tpu.memref_slice %arg7[%dma_wait3A_36, %dma_wait3A_37] : memref<25x128xi32, #tpu.memory_space<vmem>> -> memref<1x128xi32, #tpu.memory_space<vmem>>
    %dma_wait3A_39 = tpu.memref_squeeze %dma_wait3A_38 : memref<1x128xi32, #tpu.memory_space<vmem>> -> memref<128xi32, #tpu.memory_space<vmem>>
    %dma_wait3A_40 = arith.constant 0 : i32
    %dma_wait3A_41 = arith.constant 0 : i32
    %dma_wait3A_42 = tpu.memref_slice %arg2[%dma_wait3A_40, %dma_wait3A_41] : memref<10000x128xf32, #tpu.memory_space<hbm>> -> memref<10000x128xf32, #tpu.memory_space<hbm>>
    tpu.wait_indirect_dma semaphore(%arg12 : memref<!tpu.dma_semaphore, #tpu.memory_space<semaphore_mem>>) src(%dma_wait3A_42 : memref<10000x128xf32, #tpu.memory_space<hbm>>) dst(%arg10 : memref<128x128xf32, #tpu.memory_space<vmem>>)
    %dma_start3A_43 = arith.constant 0 : i32
    %dma_start3A_44 = tpu.memref_slice %arg6[%add3A_25, %dma_start3A_43] : memref<102400x128xf32, #tpu.memory_space<hbm>> -> memref<128x128xf32, #tpu.memory_space<hbm>>
    %dma_start3A_45 = arith.constant 0 : i32
    %dma_start3A_46 = tpu.memref_slice %arg6[%add3A_25, %dma_start3A_45] : memref<102400x128xf32, #tpu.memory_space<hbm>> -> memref<128x128xf32, #tpu.memory_space<hbm>>
    tpu.enqueue_dma source(%arg10 : memref<128x128xf32, #tpu.memory_space<vmem>>) target(%dma_start3A_46 : memref<128x128xf32, #tpu.memory_space<hbm>>) target_semaphore(%arg14 : memref<!tpu.dma_semaphore, #tpu.memory_space<semaphore_mem>>)
    %dma_wait3A_47 = arith.constant 0 : i32
    %dma_wait3A_48 = tpu.memref_slice %arg5[%mul3A_2, %dma_wait3A_47] : memref<102400x128xf32, #tpu.memory_space<hbm>> -> memref<128x128xf32, #tpu.memory_space<hbm>>
    %dma_wait3A_49 = arith.constant 0 : i32
    %dma_wait3A_50 = tpu.memref_slice %arg5[%mul3A_2, %dma_wait3A_49] : memref<102400x128xf32, #tpu.memory_space<hbm>> -> memref<128x128xf32, #tpu.memory_space<hbm>>
    tpu.wait_dma2 semaphore(%arg13 : memref<!tpu.dma_semaphore, #tpu.memory_space<semaphore_mem>>) src(%arg9 : memref<128x128xf32, #tpu.memory_space<vmem>>) dst(%dma_wait3A_50 : memref<128x128xf32, #tpu.memory_space<hbm>>)
    %dma_wait3A_51 = arith.constant 0 : i32
    %dma_wait3A_52 = tpu.memref_slice %arg6[%mul3A_2, %dma_wait3A_51] : memref<102400x128xf32, #tpu.memory_space<hbm>> -> memref<128x128xf32, #tpu.memory_space<hbm>>
    %dma_wait3A_53 = arith.constant 0 : i32
    %dma_wait3A_54 = tpu.memref_slice %arg6[%mul3A_2, %dma_wait3A_53] : memref<102400x128xf32, #tpu.memory_space<hbm>> -> memref<128x128xf32, #tpu.memory_space<hbm>>
    tpu.wait_dma2 semaphore(%arg14 : memref<!tpu.dma_semaphore, #tpu.memory_space<semaphore_mem>>) src(%arg10 : memref<128x128xf32, #tpu.memory_space<vmem>>) dst(%dma_wait3A_54 : memref<128x128xf32, #tpu.memory_space<hbm>>)
    return
  }
}

module attributes {stable_mosaic.version = 14 : i64} {
  func.func @_encode_body(%arg0: i32, %arg1: memref<2x2000x128xf32, #tpu.memory_space<vmem>>, %arg2: memref<2x2000x16xf32, #tpu.memory_space<vmem>>, %arg3: memref<2000x128xf32, #tpu.memory_space<vmem>>, %arg4: memref<256x128xf32, #tpu.memory_space<vmem>>, %arg5: memref<2000x128xf32, #tpu.memory_space<vmem>>) attributes {dimension_semantics = [#tpu.dimension_semantics<arbitrary>], iteration_bounds = array<i64: 5>, scalar_prefetch = 0 : i64, scratch_operands = 0 : i64, tpu.core_type = #tpu.core_type<tc>, window_params = [{transform_indices = @transform_0, window_bounds = array<i64: 2, 2000, 128>}, {transform_indices = @transform_1, window_bounds = array<i64: 2, 2000, 16>}, {transform_indices = @transform_2, window_bounds = array<i64: 2000, 128>}, {pipeline_mode = #tpu.pipeline_mode<synchronous>, transform_indices = @transform_3, window_bounds = array<i64: 256, 128>}, {transform_indices = @transform_4, window_bounds = array<i64: 2000, 128>}]} {
    %get3A = arith.constant 0 : index
    %get3A_0 = arith.constant 0 : index
    %get3A_1 = arith.constant 0 : index
    %get3A_2 = vector.load %arg1[%get3A, %get3A_0, %get3A_1] : memref<2x2000x128xf32, #tpu.memory_space<vmem>>, vector<1x2000x128xf32>
    %get3A_3 = vector.shape_cast %get3A_2 : vector<1x2000x128xf32> to vector<2000x128xf32>
    %get3A_4 = arith.constant 1 : index
    %get3A_5 = arith.constant 0 : index
    %get3A_6 = arith.constant 0 : index
    %get3A_7 = vector.load %arg1[%get3A_4, %get3A_5, %get3A_6] : memref<2x2000x128xf32, #tpu.memory_space<vmem>>, vector<1x2000x128xf32>
    %get3A_8 = vector.shape_cast %get3A_7 : vector<1x2000x128xf32> to vector<2000x128xf32>
    %add3A = arith.addf %get3A_3, %get3A_8 : vector<2000x128xf32>
    %get3A_9 = arith.constant 0 : index
    %get3A_10 = arith.constant 0 : index
    %get3A_11 = arith.constant 0 : index
    %get3A_12 = vector.load %arg2[%get3A_9, %get3A_10, %get3A_11] : memref<2x2000x16xf32, #tpu.memory_space<vmem>>, vector<1x2000x1xf32>
    %get3A_13 = vector.shape_cast %get3A_12 : vector<1x2000x1xf32> to vector<2000x1xf32>
    %get3A_14 = arith.constant 1 : index
    %get3A_15 = arith.constant 0 : index
    %get3A_16 = arith.constant 0 : index
    %get3A_17 = vector.load %arg2[%get3A_14, %get3A_15, %get3A_16] : memref<2x2000x16xf32, #tpu.memory_space<vmem>>, vector<1x2000x1xf32>
    %get3A_18 = vector.shape_cast %get3A_17 : vector<1x2000x1xf32> to vector<2000x1xf32>
    %add3A_19 = arith.addf %get3A_13, %get3A_18 : vector<2000x1xf32>
    %max3A = arith.constant 1.000000e+00 : f32
    %max3A_20 = vector.broadcast %max3A : f32 to vector<2000x1xf32>
    %max3A_21 = arith.maximumf %add3A_19, %max3A_20 : vector<2000x1xf32>
    %div3A = vector.broadcast %max3A_21 : vector<2000x1xf32> to vector<2000x128xf32>
    %div3A_22 = arith.divf %add3A, %div3A : vector<2000x128xf32>
    %get3A_23 = arith.constant 0 : index
    %get3A_24 = arith.constant 0 : index
    %get3A_25 = vector.load %arg3[%get3A_23, %get3A_24] : memref<2000x128xf32, #tpu.memory_space<vmem>>, vector<2000x128xf32>
    %get3A_26 = arith.constant 0 : index
    %get3A_27 = arith.constant 0 : index
    %get3A_28 = vector.load %arg4[%get3A_26, %get3A_27] : memref<256x128xf32, #tpu.memory_space<vmem>>, vector<128x128xf32>
    %dot_general3A = arith.constant dense<0.000000e+00> : vector<2000x128xf32>
    %dot_general3A_29 = tpu.matmul %get3A_25, %get3A_28, %dot_general3A {dimension_numbers = #tpu.dot_dimension_numbers<[1], [0], [0], [1], [0, 0, 1, 1], [], []>, transpose_lhs_hint = false} : vector<2000x128xf32>, vector<128x128xf32>, vector<2000x128xf32> -> vector<2000x128xf32>
    %get3A_30 = arith.constant 128 : index
    %get3A_31 = arith.constant 0 : index
    %get3A_32 = vector.load %arg4[%get3A_30, %get3A_31] : memref<256x128xf32, #tpu.memory_space<vmem>>, vector<128x128xf32>
    %dot_general3A_33 = arith.constant dense<0.000000e+00> : vector<2000x128xf32>
    %dot_general3A_34 = tpu.matmul %div3A_22, %get3A_32, %dot_general3A_33 {dimension_numbers = #tpu.dot_dimension_numbers<[1], [0], [0], [1], [0, 0, 1, 1], [], []>, transpose_lhs_hint = false} : vector<2000x128xf32>, vector<128x128xf32>, vector<2000x128xf32> -> vector<2000x128xf32>
    %add3A_35 = arith.addf %dot_general3A_29, %dot_general3A_34 : vector<2000x128xf32>
    %max3A_36 = arith.constant 0.000000e+00 : f32
    %max3A_37 = vector.broadcast %max3A_36 : f32 to vector<2000x128xf32>
    %max3A_38 = arith.maximumf %add3A_35, %max3A_37 : vector<2000x128xf32>
    %swap3A = arith.constant 0 : index
    %swap3A_39 = arith.constant 0 : index
    %swap3A_40 = vector.load %arg5[%swap3A, %swap3A_39] : memref<2000x128xf32, #tpu.memory_space<vmem>>, vector<2000x128xf32>
    tpu.vector_store %arg5[%swap3A, %swap3A_39], %max3A_38 {strides = array<i32>} : memref<2000x128xf32, #tpu.memory_space<vmem>>, vector<2000x128xf32>,
    return
  }
  func.func @transform_0(%arg0: i32) -> (i32, i32, i32) {
    %c0_i32 = arith.constant 0 : i32
    %c0_i32_0 = arith.constant 0 : i32
    %c0_i32_1 = arith.constant 0 : i32
    return %c0_i32, %arg0, %c0_i32_0 : i32, i32, i32
  }
  func.func @transform_1(%arg0: i32) -> (i32, i32, i32) {
    %c0_i32 = arith.constant 0 : i32
    %c0_i32_0 = arith.constant 0 : i32
    %c0_i32_1 = arith.constant 0 : i32
    return %c0_i32, %arg0, %c0_i32_0 : i32, i32, i32
  }
  func.func @transform_2(%arg0: i32) -> (i32, i32) {
    %c0_i32 = arith.constant 0 : i32
    %c0_i32_0 = arith.constant 0 : i32
    return %arg0, %c0_i32 : i32, i32
  }
  func.func @transform_3(%arg0: i32) -> (i32, i32) {
    %c0_i32 = arith.constant 0 : i32
    %c0_i32_0 = arith.constant 0 : i32
    %c0_i32_1 = arith.constant 0 : i32
    return %c0_i32, %c0_i32_0 : i32, i32
  }
  func.func @transform_4(%arg0: i32) -> (i32, i32) {
    %c0_i32 = arith.constant 0 : i32
    %c0_i32_0 = arith.constant 0 : i32
    return %arg0, %c0_i32 : i32, i32
  }
}

module attributes {stable_mosaic.version = 14 : i64} {
  func.func @_score_body(%arg0: i32, %arg1: memref<4096x128xf32, #tpu.memory_space<vmem>>, %arg2: memref<4096x128xf32, #tpu.memory_space<vmem>>, %arg3: memref<128x5xf32, #tpu.memory_space<vmem>>, %arg4: memref<5x4096xf32, #tpu.memory_space<vmem>>) attributes {dimension_semantics = [#tpu.dimension_semantics<arbitrary>], iteration_bounds = array<i64: 25>, scalar_prefetch = 0 : i64, scratch_operands = 0 : i64, tpu.core_type = #tpu.core_type<tc>, window_params = [{transform_indices = @transform_0, window_bounds = array<i64: 4096, 128>}, {transform_indices = @transform_1, window_bounds = array<i64: 4096, 128>}, {pipeline_mode = #tpu.pipeline_mode<synchronous>, transform_indices = @transform_2, window_bounds = array<i64: 128, 5>}, {transform_indices = @transform_3, window_bounds = array<i64: 5, 4096>}]} {
    %get3A = arith.constant 0 : index
    %get3A_0 = arith.constant 0 : index
    %get3A_1 = vector.load %arg1[%get3A, %get3A_0] : memref<4096x128xf32, #tpu.memory_space<vmem>>, vector<4096x128xf32>
    %get3A_2 = arith.constant 0 : index
    %get3A_3 = arith.constant 0 : index
    %get3A_4 = vector.load %arg2[%get3A_2, %get3A_3] : memref<4096x128xf32, #tpu.memory_space<vmem>>, vector<4096x128xf32>
    %mul3A = arith.mulf %get3A_1, %get3A_4 : vector<4096x128xf32>
    %get3A_5 = arith.constant 0 : index
    %get3A_6 = arith.constant 0 : index
    %get3A_7 = vector.load %arg3[%get3A_5, %get3A_6] : memref<128x5xf32, #tpu.memory_space<vmem>>, vector<128x5xf32>
    %dot_general3A = arith.constant dense<0.000000e+00> : vector<5x4096xf32>
    %dot_general3A_8 = tpu.matmul %get3A_7, %mul3A, %dot_general3A {dimension_numbers = #tpu.dot_dimension_numbers<[0], [1], [1], [0], [0, 1, 1, 0], [], []>, transpose_lhs_hint = false} : vector<128x5xf32>, vector<4096x128xf32>, vector<5x4096xf32> -> vector<5x4096xf32>
    %swap3A = arith.constant 0 : index
    %swap3A_9 = arith.constant 0 : index
    %swap3A_10 = vector.load %arg4[%swap3A, %swap3A_9] : memref<5x4096xf32, #tpu.memory_space<vmem>>, vector<5x4096xf32>
    tpu.vector_store %arg4[%swap3A, %swap3A_9], %dot_general3A_8 {strides = array<i32>} : memref<5x4096xf32, #tpu.memory_space<vmem>>, vector<5x4096xf32>,
    return
  }
  func.func @transform_0(%arg0: i32) -> (i32, i32) {
    %c0_i32 = arith.constant 0 : i32
    %c0_i32_0 = arith.constant 0 : i32
    return %arg0, %c0_i32 : i32, i32
  }
  func.func @transform_1(%arg0: i32) -> (i32, i32) {
    %c0_i32 = arith.constant 0 : i32
    %c0_i32_0 = arith.constant 0 : i32
    return %arg0, %c0_i32 : i32, i32
  }
  func.func @transform_2(%arg0: i32) -> (i32, i32) {
    %c0_i32 = arith.constant 0 : i32
    %c0_i32_0 = arith.constant 0 : i32
    %c0_i32_1 = arith.constant 0 : i32
    return %c0_i32, %c0_i32_0 : i32, i32
  }
  func.func @transform_3(%arg0: i32) -> (i32, i32) {
    %c0_i32 = arith.constant 0 : i32
    %c0_i32_0 = arith.constant 0 : i32
    return %c0_i32, %arg0 : i32, i32
  }
}

</mosaic_0001>

<sc_bundles>
// kernel: kernel.6.cloned.1.call-start
scs
__scs_entry_jumppad:
0x0: {  	(pc) =	sbr.rel $0x88, $3  }
0x1: {  	(tag) =	ssettag $0x0;
	lr =	simm.s32 $0x1  }
0x2: {  	[smem:$0x3F9C] =	sst lr;
	_ =	strace $0xD0000000  }
0x3: {  	_ = 	snop  }
0x4: {  	_ = 	snop  }
0x5: {  	_ = 	snop  }
0x6: {  	_ = 	snop  }
0x7: {  	_ = 	snop  }
__scs_overlays_trampoline_lowered:
0x8: {  	[smem:$0x3FAB] =	sst s0  }
0x9: {  	[smem:$0x3FAC] =	sst s1  }
0xa: {  	[smem:$0x3FAD] =	sst s2  }
0xb: {  	[smem:$0x3FAE] =	sst s3  }
0xc: {  	[smem:$0x3FAF] =	sst s4  }
0xd: {  	[smem:$0x3FB0] =	sst s5  }
0xe: {  	[smem:$0x3FB1] =	sst s6  }
0xf: {  	[smem:$0x3FB2] =	sst s7  }
0x10: {  	[smem:$0x3FB3] =	sst s8  }
0x11: {  	[smem:$0x3FB4] =	sst s9;
	s0 =	simm.s32 @!p0 $0x0  }
0x12: {  	s1 =	sld [smem:$0x3F9A];
	s0 =	simm.s32 @p0 $0x1  }
0x13: {  	[smem:$0x3FB5] =	sst s0;
	s0 =	simm.s32 @!p1 $0x0  }
0x14: {  	s2 =	sld [smem:$0x3F99];
	s0 =	simm.s32 @p1 $0x1  }
0x15: {  	[smem:$0x3FB6] =	sst s0;
	s0 =	simm.s32 @!p2 $0x0  }
0x16: {  	s3 =	sld [smem:$0x3FDB];
	s0 =	simm.s32 @p2 $0x1  }
0x17: {  	s4 =	simm.s32 $0x1BF5;
	[smem:$0x3FB8] =	sst s0  }
0x18: {  	s0 =	sld [smem:$0x3F9B];
	_ =	swait.ge [sflag:s4], $0x0  }
0x19: {  	s7 =	sld [smem:$0x3F9C]  }
0x1a: {  	s8 =	sadd.s32 $0xFFFFE003, lr  }
0x1b: {  	s9 =	sadd.s32 $0xFFFFFEF7, lr;
	s5 =	simm.s32 $0xFFFFFFFF;
	p2 =	slt.u32 s8, $0xFFFFF086  }
0x1c: {  	p1 =	slt.u32 s9, $0xF7A;
	s5 =	simm.s32 @!p2 $0x0  }
0x1d: {  	s5 =	simm.s32 @p1 $0x1;
	p0 =	seq.s32 s7, s2  }
0x1e: {  	s7 =	smul.u32 @!p0 $0xF7A, s2;
	p2 =	seq.s32 @!p0 s5, $0x0  }
0x1f: {  	s9 =	smul.u32 $0xF7A, s1;
	s8 =	simm.s32 @!p0 $0x1BF5;
	p2 =	por !p2, p0  }
0x20: {  	[sflag:s8] =	ssyncset.s32 @!p0 $0xFFFFF086;
	s6 =	sadd.s32 @!p0 s3, s7;
	s7 =	simm.s32 @!p0 $0x108  }
0x21: {  	s3 =	sadd.s32 s3, s9;
	s6 =	sadd.s32 @!p0 $0x88, s6;
	s7 =	simm.s32 @p2 $0x1082  }
0x22: {  	[simem:s7], [sflag:s8] =	dma.local @!p0 [hbm:s6], $0xF7A  }
0x23: {  	s9 =	sor.u32 $0xD0000000, s2;
	s6 =	simm.s32 $0x108;
	_ =	swait.ge @!p0 [sflag:s8], $0x0  }
0x24: {  	s3 =	sadd.s32 $0x88, s3;
	s6 =	simm.s32 @!p1 $0x1082;
	[sflag:s4] =	ssyncset.s32 $0xFFFFF086  }
0x25: {  	[simem:s6], [sflag:s4] =	dma.local [hbm:s3], $0xF7A  }
0x26: {  	[smem:$0x3F9C] =	sst s1;
	(tag) =	ssettag s2;
	_ =	strace s9  }
0x27: {  	s1 =	sld [smem:$0x3FAC]  }
0x28: {  	s2 =	sld [smem:$0x3FAD]  }
0x29: {  	s4 =	sld [smem:$0x3FAF]  }
0x2a: {  	p0 =	seq.s32 s5, $0x0;
	s5 =	sld [smem:$0x3FB0]  }
0x2b: {  	s6 =	sld [smem:$0x3FB1]  }
0x2c: {  	s7 =	sld [smem:$0x3FB2]  }
0x2d: {  	s3 =	simm.s32 $0x108;
	s8 =	sld [smem:$0x3FB3]  }
0x2e: {  	s3 =	simm.s32 @!p0 $0x1082;
	s9 =	sld [smem:$0x3FB4]  }
0x2f: {  	lr =	sadd.s32 s0, s3;
	s0 =	sld [smem:$0x3FAB]  }
0x30: {  	s3 =	sld [smem:$0x3FAE]  }
0x31: {  	[smem:$0x3FB7] =	sst s10  }
0x32: {  	s10 =	sld [smem:$0x3FB5];
	_ =	sdelay $0x3  }
0x33: {  	p0 =	seq.s32 s10, $0x1;
	s10 =	sld [smem:$0x3FB7];
	_ =	sdelay $0x3  }
0x34: {  	[smem:$0x3FB7] =	sst s10  }
0x35: {  	s10 =	sld [smem:$0x3FB6];
	_ =	sdelay $0x3  }
0x36: {  	p1 =	seq.s32 s10, $0x1;
	s10 =	sld [smem:$0x3FB7];
	_ =	sdelay $0x3  }
0x37: {  	[smem:$0x3FB7] =	sst s10  }
0x38: {  	s10 =	sld [smem:$0x3FB8]  }
0x39: {  	_ = 	snop;
	(pc) =	sbr.ind lr, $3  }
0x3a: {  	_ = 	snop  }
0x3b: {  	_ = 	snop  }
0x3c: {  	p2 =	seq.s32 s10, $0x1;
	s10 =	sld [smem:$0x3FB7]  }
0x3d: {  	_ =	shalt  }
0x3e: {  	_ =	shalt  }
0x3f: {  	_ =	shalt  }
0x40: {  	_ =	shalt  }
0x41: {  	_ =	shalt  }
0x42: {  	_ =	shalt  }
0x43: {  	_ =	shalt  }
0x44: {  	_ =	shalt  }
0x45: {  	_ =	shalt  }
0x46: {  	_ =	shalt  }
0x47: {  	_ =	shalt  }
0x48: {  	_ =	shalt  }
0x49: {  	_ =	shalt  }
0x4a: {  	_ =	shalt  }
0x4b: {  	_ =	shalt  }
0x4c: {  	_ =	shalt  }
0x4d: {  	_ =	shalt  }
0x4e: {  	_ =	shalt  }
0x4f: {  	_ =	shalt  }
0x50: {  	_ =	shalt  }
0x51: {  	_ =	shalt  }
0x52: {  	_ =	shalt  }
0x53: {  	_ =	shalt  }
0x54: {  	_ =	shalt  }
0x55: {  	_ =	shalt  }
0x56: {  	_ =	shalt  }
0x57: {  	_ =	shalt  }
0x58: {  	_ =	shalt  }
0x59: {  	_ =	shalt  }
0x5a: {  	_ =	shalt  }
0x5b: {  	_ =	shalt  }
0x5c: {  	_ =	shalt  }
0x5d: {  	_ =	shalt  }
0x5e: {  	_ =	shalt  }
0x5f: {  	_ =	shalt  }
0x60: {  	_ =	shalt  }
0x61: {  	_ =	shalt  }
0x62: {  	_ =	shalt  }
0x63: {  	_ =	shalt  }
0x64: {  	_ =	shalt  }
0x65: {  	_ =	shalt  }
0x66: {  	_ =	shalt  }
0x67: {  	_ =	shalt  }
0x68: {  	_ =	shalt  }
0x69: {  	_ =	shalt  }
0x6a: {  	_ =	shalt  }
0x6b: {  	_ =	shalt  }
0x6c: {  	_ =	shalt  }
0x6d: {  	_ =	shalt  }
0x6e: {  	_ =	shalt  }
0x6f: {  	_ =	shalt  }
0x70: {  	_ =	shalt  }
0x71: {  	_ =	shalt  }
0x72: {  	_ =	shalt  }
0x73: {  	_ =	shalt  }
0x74: {  	_ =	shalt  }
0x75: {  	_ =	shalt  }
0x76: {  	_ =	shalt  }
0x77: {  	_ =	shalt  }
0x78: {  	_ =	shalt  }
0x79: {  	_ =	shalt  }
0x7a: {  	_ =	shalt  }
0x7b: {  	_ =	shalt  }
0x7c: {  	_ =	shalt  }
0x7d: {  	_ =	shalt  }
0x7e: {  	_ =	shalt  }
0x7f: {  	_ =	shalt  }
0x80: {  	_ =	shalt  }
0x81: {  	_ =	shalt  }
0x82: {  	_ =	shalt  }
0x83: {  	_ =	shalt  }
0x84: {  	_ =	shalt  }
0x85: {  	_ =	shalt  }
0x86: {  	_ =	shalt  }
0x87: {  	_ =	shalt  }
.Lfunc_end0:
.L_simem_size_0:
called_computation_lowered:
.L_overlay_start_0:
0x88: {  	s2 =	sld [smem:$0x3FD9]  }
0x89: {  	s3 =	sld [smem:$0x3FFE];
	_ =	sdelay $0x1  }
0x8a: {  	s1 =	srdreg.scid  }
0x8b: {  	s0 =	sand.u32 $0x1, s1  }
0x8c: {  	s17 =	sshll.u32 s0, $0xA;
	s2 =	sadd.s32 s3, s2  }
0x8d: {  	s2 =	sadd.s32 s2, s17  }
0x8e: {  	[smem:$0x3FC3] =	sst s2  }
0x8f: {  	_ = 	snop  }
0x90: {  	s2 =	sld [smem:$0x3FD0];
	(tm) =	ssettm $0x1  }
0x91: {  	s18 =	sld [smem:$0x3FFB];
	_ =	sdelay $0x3  }
0x92: {  	_ =	strace s18  }
0x93: {  	s3 =	sld [smem:$0x3FFC];
	_ =	sdelay $0x3  }
0x94: {  	_ =	strace s3  }
0x95: {  	s3 =	sld [smem:$0x3FFD];
	_ =	sdelay $0x3  }
0x96: {  	_ =	strace s3  }
0x97: {  	_ =	strace $0x8FFFFFFF  }
0x98: {  	s19 =	sld [smem:$0x3FDB];
	_ =	sdelay $0x1  }
0x99: {  	s4 =	simm.s32 $_scs_section_size  }
0x9a: {  	s5 =	simm.s32 $_size__tile_overlayer_lowered;
	s6 =	simm.s32 $_tile_overlayer_lowered  }
0x9b: {  	s22 =	simm.s32 $0x1BFF;
	s21 =	sshll.u32 s6, $0x1;
	s3 =	sadd.s32 s4, s19  }
0x9c: {  	s7 =	simm.s32 $0x0;
	s20 =	sshll.u32 s5, $0x1;
	s5 =	sadd.s32 s21, s3  }
0x9d: {  	[timem:s7], [sflag:s22] =	dma.local [hbm:s5], s20  }
0x9e: {  	_ =	swait.ge [sflag:s22], s20  }
0x9f: {  	s4 =	ssub.s32 $0x0, s20;
	[sflag:s22] =	ssyncset.done $0x0  }
0xa0: {  	[sflag:s22] =	ssyncadd.s32 s4;
	_ =	sdelay $0x1  }
0xa1: {  	s23 =	simm.s32 $0x1B8B  }
0xa2: {  	_ =	swait.ge [sflag:s23], $0x1  }
0xa3: {  	[sflag:s23] =	ssyncset.done $0x0  }
0xa4: {  	s25 =	simm.s32 $0x1B8E;
	s24 =	sld [smem:$0x3FFE];
	[sflag:s23] =	ssyncadd.s32 $0xFFFFFFFF  }
0xa5: {  	s26 =	simm.s32 $execute0_lowered;
	[smem:$0x3FD2] =	sst s25  }
0xa6: {  	s5 =	sshll.u32 s26, $0x1;
	_ =	strace $0x80000046;
	[dreg:$0x1] =	wrdreg $0xFFFFFFFF  }
0xa7: {  	s28 =	simm.s32 $_size_execute0_lowered;
	s3 =	sadd.s32 s3, s5;
	[dreg:$0x0] =	wrdreg $0x0  }
0xa8: {  	s5 =	sshll.u32 s28, $0x1;
	[dreg:$0x2] =	wrdreg s3  }
0xa9: {  	[dreg:$0x3] =	wrdreg s5  }
0xaa: {  	[dreg:$0x4] =	wrdreg $0xC0  }
0xab: {  	_ =	task [dreg:s7], $0x5FFFF  }
0xac: {  	[dreg:$0x1] =	wrdreg $0xFFFFFFFF  }
0xad: {  	[dreg:$0x0] =	wrdreg $0x60  }
0xae: {  	[dreg:$0x2] =	wrdreg s24  }
0xaf: {  	[dreg:$0x3] =	wrdreg s2  }
0xb0: {  	[dreg:$0x4] =	wrdreg $0xA0000  }
0xb1: {  	[dreg:$0x5] =	wrdreg $0x9  }
0xb2: {  	_ =	task.clear_ibuf [dreg:s7], $0x6FFFF;
	_ =	strace $0x90000046  }
0xb3: {  	s29 =	simm.s32 $0x9;
	_ =	strace $0x80000048  }
0xb4: {  	_ =	swait.ge [sflag:s29], $0x1  }
0xb5: {  	[sflag:s29] =	ssyncadd.s32 $0xFFFFFFFF  }
0xb6: {  	_ =	strace $0x90000048  }
0xb7: {  	_ =	sfence  }
0xb8: {  	s30 =	sld [smem:$0x0];
	_ =	sdelay $0x2  }
0xb9: {  	s31 =	sshll.u32 s1, $0xD;
	s1 =	sshrl.u32 s1, $0x2  }
0xba: {  	s3 =	sand.u32 $0x4000, s31;
	s1 =	sadd.s32 s1, s30  }
0xbb: {  	s0 =	sor.u32 s3, s0;
	s1 =	sshll.u32 s1, $0x11  }
0xbc: {  	s0 =	sor.u32 s1, s0  }
0xbd: {  	s0 =	sadd.s32 $0x8F2B, s0  }
0xbe: {  	[sflag:s0] =	ssyncadd.remote.s32 $0x1  }
0xbf: {  	_ =	sfence.sel $0xFFFF  }
0xc0: {  	[dreg:$0x0] =	wrdreg $0xFFFFFFFF;
	(pc) =	sbr.abs _section_cstart, $3  }
0xc1: {  	[dreg:$0x1] =	wrdreg $0xFFFFFFFF  }
0xc2: {  	_ =	task.clear_ibuf [dreg:s7], $0x2FFFF;
	_ =	strace $0x9FFFFFFF  }
0xc3: {  	(tm) =	ssettm $0x7FFFFFFF  }
tec
execute0_lowered:
.L_overlay_start_1:
0x0: {  	(tag) =	ssettag $0x1  }
0x1: {  	s0 =	rddreg [dreg:$0x0]  }
0x2: {  	s1 =	rddreg [dreg:$0x1]  }
0x3: {  	s2 =	rddreg [dreg:$0x2]  }
0x4: {  	s3 =	simm.s32 $0x0;
	s4 =	srdreg.scid;
	s12 =	stileid.u32  }
0x5: {  	s16 =	simm.s32 $0x6;
	s19 =	simm.s32 $0x80;
	s28 =	simm.s32 $0x3  }
0x6: {  	s29 =	simm.s32 $0x4;
	[smem:$0x7FF] =	sst s3;
	s4 =	sand.u32 $0x1, s4  }
0x7: {  	s5 =	sadd.s32 $0xE00, s0;
	s6 =	sadd.s32 $0x2D800, s0;
	s21 =	smul.u32 $0x57E40, s12  }
0x8: {  	s8 =	sadd.s32 $0x37800, s0;
	s9 =	sshll.u32 s12, $0x1;
	s31 =	smul.u32 $0x2710, s12  }
0x9: {  	s23 =	sshll.u32 s12, $0x6;
	s17 =	smul.u32 $0x4E2, s12;
	_ =	strace $0x80000047  }
0xa: {  	s7 =	smul.u32 $0x27100, s4;
	[dreg:$0x4] =	wrdreg s8;
	s10 =	ssub.s32 $0x2, s4  }
0xb: {  	s20 =	smul.u32 $0x4E20, s4;
	s4 =	sor.u32 s4, s9;
	s11 =	sshrl.u32 s10, $0x1  }
0xc: {  	s8 =	smul.u32 $0x2800, s4;
	s9 =	sshrl.u32 s21, $0x2;
	s4 =	simm.s32 $0x12  }
0xd: {  	s7 =	sadd.s32 s7, s0;
	s0 =	sadd.s32 s20, s0;
	s22 =	ssub.s32 s10, s11  }
0xe: {  	s15 =	sadd.s32 s9, s2;
	s9 =	sor.u32 $0x1C06, s23;
	s20 =	simm.s32 $0x1000  }
0xf: {  	s24 =	sshrl.u32 s8, $0x3;
	s7 =	sadd.s32 $0x44200, s7;
	s0 =	sadd.s32 $0x3A400, s0  }
0x10: {  	s18 =	sadd.s32 $0x80, s15;
	s14 =	smax.u32 s22, $0x1;
	s15 =	sshrl.u32 s15, $0x3  }
0x11: {  	s22 =	simm.s32 $0x5800;
	s25 =	sadd.s32 s1, s24;
	s26 =	sadd.s32 s6, s24  }
0x12: {  	s10 =	sor.u32 $0x80, s24;
	s21 =	sadd.s32 s31, s7;
	s23 =	sadd.s32 s17, s0  }
0x13: {  	s24 =	simm.s32 $0x1;
	s17 =	simm.s32 $0x0;
	[dreg:$0x5] =	wrdreg s25  }
0x14: {  	[dreg:$0x6] =	wrdreg s26;
	s30 =	sadd.s32 s1, s10;
	s13 =	sadd.s32 s6, s10  }
0x15: {  	s25 =	sshrl.u32 s18, $0x3;
	s26 =	simm.s32 $0x2;
	[dreg:$0x7] =	wrdreg s30  }
.LBB2_1:
0x16: {  	s0 =	rddreg [dreg:$0x4]  }
0x17: {  	[spmem:s15], [sflag:s9] =	dma.local [hbm:s0], $0x2BF2  }
0x18: {  	_ =	swait.ge [sflag:s16], $0x2BF2  }
0x19: {  	[sflag:s16] =	ssyncset.done $0x0  }
0x1a: {  	s11 =	rddreg [dreg:$0x5];
	[sflag:s16] =	ssyncadd.s32 $0xFFFFD40E  }
0x1b: {  	[tilespmem:s3], [sflag:$0x6] =	stream.linear.gather [hbm4b:s11+s3], $0x400, $0x38;
	[tilespmem:$0x1FF90] =	vst v63  }
0x1c: {  	_ =	swait.ge [sflag:s16], $0x400  }
0x1d: {  	[sflag:s16] =	ssyncset.done $0x0  }
0x1e: {  	s7 =	simm.s32 $0x800;
	s12 =	rddreg [dreg:$0x6];
	[sflag:s16] =	ssyncadd.s32 $0xFFFFFC00  }
0x1f: {  	[tilespmem:s7], [sflag:$0x6] =	stream.linear.gather [hbm4b:s12+s3], $0x400, $0x38;
	[tilespmem:$0x1FF90] =	vst v63  }
0x20: {  	_ =	swait.ge [sflag:s16], $0x400  }
0x21: {  	[sflag:s16] =	ssyncset.done $0x0  }
0x22: {  	s0 =	simm.s32 $0x400;
	s18 =	rddreg [dreg:$0x7];
	[sflag:s16] =	ssyncadd.s32 $0xFFFFFC00  }
0x23: {  	[tilespmem:s0], [sflag:$0x5] =	stream.linear.gather [hbm4b:s18+s3], $0x400, $0x38;
	[tilespmem:$0x1FF90] =	vst v63  }
0x24: {  	s10 =	simm.s32 $0xC00  }
0x25: {  	[tilespmem:s10], [sflag:$0x5] =	stream.linear.gather [hbm4b:s13+s3], $0x400, $0x38;
	[tilespmem:$0x1FF90] =	vst v63  }
0x26: {  	s11 =	simm.s32 $0x0;
	[bflag:$0x0] =	sbarrier.arrive $0xFFFF  }
0x27: {  	[tilespmem:s20], [sflag:$0x1] =	stream.indirect.gather [hbm4b:s5+s19], $0x90, s3, s19, $0xb8;
	[tilespmem:$0x1FF90] =	vst v63  }
0x28: {  	s7 =	sand.u32 $0xC00, s11  }
0x29: {  	[tilespmem:s22], [sflag:$0x2] =	stream.indirect.gather [hbm4b:s5+s19], $0x90, s19, s19, $0xb8;
	[tilespmem:$0x1FF90] =	vst v63  }
0x2a: {  	s7 =	sshrl.u32 s7, $0x2;
	s10 =	sand.u32 $0x400, s3;
	_ =	swait.ge [sflag:s24], $0x4800  }
0x2b: {  	s7 =	sor.u32 s7, s10;
	[sflag:s24] =	ssyncset.done $0x0  }
0x2c: {  	s10 =	sor.u32 $0x800, s7;
	[sflag:s24] =	ssyncadd.s32 $0xFFFFB800  }
0x2d: {  	[spmem:s2] =	stream.indirect.scatter.add.f32 [tilespmem:s20], [sflag:$0x3], $0x90, s10, s19, $0xb8;
	[tilespmem:$0x1FF90] =	vst v63  }
0x2e: {  	_ =	swait.ge [sflag:s26], $0x4800  }
0x2f: {  	s12 =	sand.u32 $0x3, s3;
	[sflag:s26] =	ssyncset.done $0x0  }
0x30: {  	p0 =	sne.s32 s12, $0x3;
	s7 =	sor.u32 $0x880, s7;
	[sflag:s26] =	ssyncadd.s32 $0xFFFFB800  }
0x31: {  	[spmem:s2] =	stream.indirect.scatter.add.f32 [tilespmem:s22], [sflag:$0x4], $0x90, s7, s19, $0xb8;
	[tilespmem:$0x1FF90] =	vst v63  }
0x32: {  	s7 =	simm.s32 @!p0 $0x5  }
0x33: {  	_ =	swait.ge @!p0 [sflag:s7], $0x400  }
0x34: {  	[sflag:s7] =	ssyncset.done @!p0 $0x0  }
0x35: {  	[sflag:s7] =	ssyncadd.s32 @!p0 $0xFFFFFC00  }
0x36: {  	_ =	swait.ge @!p0 [sflag:s7], $0x400  }
0x37: {  	p1 =	sne.s32 s12, $0x0;
	[sflag:s7] =	ssyncset.done @!p0 $0x0  }
0x38: {  	s18 =	simm.s32 $0x100;
	s0 =	sand.u32 $0xC00, s0;
	[sflag:s7] =	ssyncadd.s32 @!p0 $0xFFFFFC00  }
0x39: {  	s30 =	sand.u32 $0x400, s18;
	s0 =	sshrl.u32 s0, $0x2;
	_ =	swait.ge [sflag:s28], $0x4800  }
0x3a: {  	s0 =	sor.u32 s0, s30;
	p0 =	por @!p1 $0x1, $0x1;
	[sflag:s28] =	ssyncset.done $0x0  }
0x3b: {  	s7 =	sand.u32 $0x7FFFFC00, s3;
	p1 =	por p0, p1;
	[sflag:s28] =	ssyncadd.s32 $0xFFFFB800  }
0x3c: {  	[tilespmem:s20], [sflag:$0x1] =	stream.indirect.gather [hbm4b:s5+s19], $0x90, s0, s19, $0xb8;
	[tilespmem:$0x1FF90] =	vst v63  }
0x3d: {  	s7 =	sadd.s32 @!p1 $0x400, s7;
	_ =	swait.ge [sflag:s29], $0x4800  }
0x3e: {  	s31 =	simm.s32 $0x0;
	s10 =	sadd.s32 @!p1 s8, s7;
	[sflag:s29] =	ssyncset.done $0x0  }
0x3f: {  	s0 =	sor.u32 $0x80, s0;
	s10 =	sshrl.u32 @!p1 s10, $0x3;
	[sflag:s29] =	ssyncadd.s32 $0xFFFFB800  }
0x40: {  	[tilespmem:s22], [sflag:$0x2] =	stream.indirect.gather [hbm4b:s5+s19], $0x90, s0, s19, $0xb8;
	[tilespmem:$0x1FF90] =	vst v63  }
0x41: {  	s30 =	sadd.s32 @!p1 s1, s10;
	s0 =	sand.u32 @!p1 $0x400, s7;
	s7 =	simm.s32 @!p1 $0x0  }
0x42: {  	[tilespmem:s0], [sflag:$0x5] =	stream.linear.gather @!p1 [hbm4b:s30+s7], $0x400, $0x38;
	[tilespmem:$0x1FF90] =	vst v63  }
0x43: {  	s10 =	sadd.s32 @!p1 s6, s10;
	s30 =	simm.s32 $0x800;
	s0 =	sor.u32 @!p1 $0x800, s0  }
.LBB2_2:
0x44: {  	s11 =	sadd.s32 $0xFFFFFC00, s30  }
0x45: {  	s31 =	sadd.s32 $0x1, s31;
	s12 =	smov.u32 s18;
	s18 =	sadd.s32 $0x100, s18  }
0x46: {  	[tilespmem:s0], [sflag:$0x5] =	stream.linear.gather @!p1 [hbm4b:s10+s7], $0x400, $0x38;
	[tilespmem:$0x1FF90] =	vst v63  }
0x47: {  	s0 =	sand.u32 $0xC00, s11;
	s7 =	sand.u32 $0x400, s18;
	p0 =	sne.s32 s18, $0x2700  }
0x48: {  	s10 =	sand.u32 $0x400, s12;
	s0 =	sshrl.u32 s0, $0x2;
	_ =	swait.ge [sflag:s24], $0x4800  }
0x49: {  	s0 =	sor.u32 s0, s10;
	[sflag:s24] =	ssyncset.done $0x0  }
0x4a: {  	s10 =	sor.u32 $0x800, s0;
	[sflag:s24] =	ssyncadd.s32 $0xFFFFB800  }
0x4b: {  	[spmem:s2] =	stream.indirect.scatter.add.f32 [tilespmem:s20], [sflag:$0x3], $0x90, s10, s19, $0xb8;
	[tilespmem:$0x1FF90] =	vst v63  }
0x4c: {  	_ =	swait.ge [sflag:s26], $0x4800  }
0x4d: {  	s10 =	sand.u32 $0x3, s31;
	[sflag:s26] =	ssyncset.done $0x0  }
0x4e: {  	s0 =	sor.u32 $0x880, s0;
	p3 =	sne.s32 s10, $0x3;
	[sflag:s26] =	ssyncadd.s32 $0xFFFFB800  }
0x4f: {  	[spmem:s2] =	stream.indirect.scatter.add.f32 [tilespmem:s22], [sflag:$0x4], $0x90, s0, s19, $0xb8;
	[tilespmem:$0x1FF90] =	vst v63  }
0x50: {  	p1 =	sne.s32 s10, $0x0;
	s10 =	sadd.s32 $0xFFFFFFFF, s31;
	s0 =	simm.s32 @!p3 $0x5  }
0x51: {  	p2 =	sgt.u32 @!p1 s10, $0x22;
	_ =	swait.ge @!p3 [sflag:s0], $0x400  }
0x52: {  	[sflag:s0] =	ssyncset.done @!p3 $0x0  }
0x53: {  	[sflag:s0] =	ssyncadd.s32 @!p3 $0xFFFFFC00  }
0x54: {  	_ =	swait.ge @!p3 [sflag:s0], $0x400  }
0x55: {  	[sflag:s0] =	ssyncset.done @!p3 $0x0  }
0x56: {  	[sflag:s0] =	ssyncadd.s32 @!p3 $0xFFFFFC00  }
0x57: {  	s0 =	sand.u32 $0xC00, s30;
	s30 =	sadd.s32 $0x400, s30;
	_ =	swait.ge [sflag:s28], $0x4800  }
0x58: {  	s10 =	sand.u32 $0x7FFFFC00, s12;
	s0 =	sshrl.u32 s0, $0x2;
	[sflag:s28] =	ssyncset.done $0x0  }
0x59: {  	p1 =	por p2, p1;
	s0 =	sor.u32 s0, s7;
	[sflag:s28] =	ssyncadd.s32 $0xFFFFB800  }
0x5a: {  	[tilespmem:s20], [sflag:$0x1] =	stream.indirect.gather [hbm4b:s5+s19], $0x90, s0, s19, $0xb8;
	[tilespmem:$0x1FF90] =	vst v63  }
0x5b: {  	s7 =	sor.u32 $0x80, s0;
	s0 =	sadd.s32 @!p1 $0x400, s10  }
0x5c: {  	_ =	swait.ge [sflag:s29], $0x4800;
	s10 =	sadd.s32 @!p1 s8, s0  }
.Ltmp0:
0x5d: {  	s11 =	sand.u32 @!p1 $0x400, s0;
	[sflag:s29] =	ssyncset.done $0x0;
	(pc) =	sbr.rel @p0 .LBB2_2-.Ltmp0, $4  }
0x5e: {  	s10 =	sshrl.u32 @!p1 s10, $0x3;
	s0 =	sor.u32 @!p1 $0x800, s11;
	[sflag:s29] =	ssyncadd.s32 $0xFFFFB800  }
0x5f: {  	[tilespmem:s22], [sflag:$0x2] =	stream.indirect.gather [hbm4b:s5+s19], $0x90, s7, s19, $0xb8;
	[tilespmem:$0x1FF90] =	vst v63  }
0x60: {  	s12 =	sadd.s32 @!p1 s1, s10;
	s10 =	sadd.s32 @!p1 s6, s10;
	s7 =	simm.s32 @!p1 $0x0  }
0x61: {  	[tilespmem:s11], [sflag:$0x5] =	stream.linear.gather @!p1 [hbm4b:s12+s7], $0x400, $0x38;
	[tilespmem:$0x1FF90] =	vst v63  }
0x62: {  	[tilespmem:s0], [sflag:$0x5] =	stream.linear.gather @!p1 [hbm4b:s10+s7], $0x400, $0x38;
	[tilespmem:$0x1FF90] =	vst v63  }
0x63: {  	_ =	swait.ge [sflag:s24], $0x4800  }
0x64: {  	[sflag:s24] =	ssyncset.done $0x0  }
0x65: {  	s18 =	simm.s32 $0xF00;
	[sflag:s24] =	ssyncadd.s32 $0xFFFFB800  }
0x66: {  	[spmem:s2] =	stream.indirect.scatter.add.f32 [tilespmem:s20], [sflag:$0x3], $0x90, s18, s19, $0xb8;
	[tilespmem:$0x1FF90] =	vst v63  }
0x67: {  	_ =	swait.ge [sflag:s26], $0x4800  }
0x68: {  	[sflag:s26] =	ssyncset.done $0x0  }
0x69: {  	s30 =	simm.s32 $0xF80;
	[sflag:s26] =	ssyncadd.s32 $0xFFFFB800  }
0x6a: {  	[spmem:s2] =	stream.indirect.scatter.add.f32 [tilespmem:s22], [sflag:$0x4], $0x90, s30, s19, $0xb8;
	[tilespmem:$0x1FF90] =	vst v63  }
0x6b: {  	_ =	swait.ge [sflag:s28], $0x4800  }
0x6c: {  	[sflag:s28] =	ssyncset.done $0x0  }
0x6d: {  	[sflag:s28] =	ssyncadd.s32 $0xFFFFB800  }
0x6e: {  	_ =	swait.ge [sflag:s29], $0x4800  }
0x6f: {  	[sflag:s29] =	ssyncset.done $0x0  }
0x70: {  	[sflag:s29] =	ssyncadd.s32 $0xFFFFB800  }
0x71: {  	s31 =	simm.s32 $0x10;
	[bflag:$0x0] =	sbarrier.arrive $0xFFFF  }
0x72: {  	[hbm:s21@s31], [sflag:s9] =	dma.strided [spmem:s15@s4], $0x2710, s24, $0x10   }
0x73: {  	s17 =	sadd.s32 $0x1, s17;
	_ =	swait.ge [sflag:s16], $0x2710  }
0x74: {  	p0 =	sne.s32 s17, s14;
	[sflag:s16] =	ssyncset.done $0x0  }
.Ltmp1:
0x75: {  	[sflag:s16] =	ssyncadd.s32 $0xFFFFD8F0;
	(pc) =	sbr.rel @p0 .LBB2_1-.Ltmp1, $4  }
0x76: {  	[hbm:s23@s26], [sflag:s9] =	dma.strided [spmem:s25@s4], $0x4E2, s24, $0x2   }
0x77: {  	_ =	swait.ge [sflag:s16], $0x4E2  }
0x78: {  	[sflag:s16] =	ssyncset.done $0x0  }
0x79: {  	[sflag:s16] =	ssyncadd.s32 $0xFFFFFB1E  }
0x7a: {  	_ =	sfence.sel $0x180000  }
0x7b: {  	[bflag:$0x0] =	sbarrier.arrive $0xFFFF  }
0x7c: {  	_ =	strace $0x90000047  }
0x7d: {  	s0 =	stileid.u32;
	[bflag:$0x2] =	sbarrier.arrive $0xFFFF  }
0x7e: {  	p0 =	sne.s32 s0, $0x0;
	s0 =	rddreg [dreg:$0x3]  }
0x7f: {  	s0 =	sadd.s32 @!p0 $0x100000, s0  }
0x80: {  	[sflag:s0] =	ssyncadd.tile.s32 @!p0 $0x1;
	_ =	shalt  }
.Lfunc_end2:
_tile_overlayer_lowered:
.L_overlay_start_2:
0x81: {  	(tag) =	ssettag $0x2  }
0x82: {  	s0 =	rddreg [dreg:$0x0];
	s2 =	stileid.u32  }
0x83: {  	s1 =	rddreg [dreg:$0x1];
	p0 =	sne.s32 s2, $0x0  }
0x84: {  	s3 =	rddreg [dreg:$0x2];
	[bflag:$0x3] =	sbarrier.arrive $0xFFFF;
	s2 =	simm.s32 @!p0 $0x1C06  }
0x85: {  	[timem:s3], [sflag:s2] =	dma.local @!p0 [hbm:s0], s1  }
0x86: {  	s0 =	simm.s32 @!p0 $0x6  }
0x87: {  	_ =	swait.ge @!p0 [sflag:s0], s1  }
0x88: {  	s1 =	ssub.s32 @!p0 $0x0, s1;
	[sflag:s0] =	ssyncset.done @!p0 $0x0  }
0x89: {  	[sflag:s0] =	ssyncadd.s32 @!p0 s1  }
0x8a: {  	[bflag:$0x3] =	sbarrier.arrive $0xFFFF  }
0x8b: {  	_ =	shalt  }

// kernel: kernel.9.cloned.1.call-start
scs
__scs_entry_jumppad:
0x0: {  	(pc) =	sbr.rel $0x88, $3  }
0x1: {  	(tag) =	ssettag $0x0;
	lr =	simm.s32 $0x1  }
0x2: {  	[smem:$0x3F9C] =	sst lr;
	_ =	strace $0xD0000000  }
0x3: {  	_ = 	snop  }
0x4: {  	_ = 	snop  }
0x5: {  	_ = 	snop  }
0x6: {  	_ = 	snop  }
0x7: {  	_ = 	snop  }
__scs_overlays_trampoline_lowered:
0x8: {  	[smem:$0x3FAB] =	sst s0  }
0x9: {  	[smem:$0x3FAC] =	sst s1  }
0xa: {  	[smem:$0x3FAD] =	sst s2  }
0xb: {  	[smem:$0x3FAE] =	sst s3  }
0xc: {  	[smem:$0x3FAF] =	sst s4  }
0xd: {  	[smem:$0x3FB0] =	sst s5  }
0xe: {  	[smem:$0x3FB1] =	sst s6  }
0xf: {  	[smem:$0x3FB2] =	sst s7  }
0x10: {  	[smem:$0x3FB3] =	sst s8  }
0x11: {  	[smem:$0x3FB4] =	sst s9;
	s0 =	simm.s32 @!p0 $0x0  }
0x12: {  	s1 =	sld [smem:$0x3F9A];
	s0 =	simm.s32 @p0 $0x1  }
0x13: {  	[smem:$0x3FB5] =	sst s0;
	s0 =	simm.s32 @!p1 $0x0  }
0x14: {  	s2 =	sld [smem:$0x3F99];
	s0 =	simm.s32 @p1 $0x1  }
0x15: {  	[smem:$0x3FB6] =	sst s0;
	s0 =	simm.s32 @!p2 $0x0  }
0x16: {  	s3 =	sld [smem:$0x3FDB];
	s0 =	simm.s32 @p2 $0x1  }
0x17: {  	s4 =	simm.s32 $0x1BF5;
	[smem:$0x3FB8] =	sst s0  }
0x18: {  	s0 =	sld [smem:$0x3F9B];
	_ =	swait.ge [sflag:s4], $0x0  }
0x19: {  	s7 =	sld [smem:$0x3F9C]  }
0x1a: {  	s8 =	sadd.s32 $0xFFFFE003, lr  }
0x1b: {  	s9 =	sadd.s32 $0xFFFFFEF7, lr;
	s5 =	simm.s32 $0xFFFFFFFF;
	p2 =	slt.u32 s8, $0xFFFFF086  }
0x1c: {  	p1 =	slt.u32 s9, $0xF7A;
	s5 =	simm.s32 @!p2 $0x0  }
0x1d: {  	s5 =	simm.s32 @p1 $0x1;
	p0 =	seq.s32 s7, s2  }
0x1e: {  	s7 =	smul.u32 @!p0 $0xF7A, s2;
	p2 =	seq.s32 @!p0 s5, $0x0  }
0x1f: {  	s9 =	smul.u32 $0xF7A, s1;
	s8 =	simm.s32 @!p0 $0x1BF5;
	p2 =	por !p2, p0  }
0x20: {  	[sflag:s8] =	ssyncset.s32 @!p0 $0xFFFFF086;
	s6 =	sadd.s32 @!p0 s3, s7;
	s7 =	simm.s32 @!p0 $0x108  }
0x21: {  	s3 =	sadd.s32 s3, s9;
	s6 =	sadd.s32 @!p0 $0x88, s6;
	s7 =	simm.s32 @p2 $0x1082  }
0x22: {  	[simem:s7], [sflag:s8] =	dma.local @!p0 [hbm:s6], $0xF7A  }
0x23: {  	s9 =	sor.u32 $0xD0000000, s2;
	s6 =	simm.s32 $0x108;
	_ =	swait.ge @!p0 [sflag:s8], $0x0  }
0x24: {  	s3 =	sadd.s32 $0x88, s3;
	s6 =	simm.s32 @!p1 $0x1082;
	[sflag:s4] =	ssyncset.s32 $0xFFFFF086  }
0x25: {  	[simem:s6], [sflag:s4] =	dma.local [hbm:s3], $0xF7A  }
0x26: {  	[smem:$0x3F9C] =	sst s1;
	(tag) =	ssettag s2;
	_ =	strace s9  }
0x27: {  	s1 =	sld [smem:$0x3FAC]  }
0x28: {  	s2 =	sld [smem:$0x3FAD]  }
0x29: {  	s4 =	sld [smem:$0x3FAF]  }
0x2a: {  	p0 =	seq.s32 s5, $0x0;
	s5 =	sld [smem:$0x3FB0]  }
0x2b: {  	s6 =	sld [smem:$0x3FB1]  }
0x2c: {  	s7 =	sld [smem:$0x3FB2]  }
0x2d: {  	s3 =	simm.s32 $0x108;
	s8 =	sld [smem:$0x3FB3]  }
0x2e: {  	s3 =	simm.s32 @!p0 $0x1082;
	s9 =	sld [smem:$0x3FB4]  }
0x2f: {  	lr =	sadd.s32 s0, s3;
	s0 =	sld [smem:$0x3FAB]  }
0x30: {  	s3 =	sld [smem:$0x3FAE]  }
0x31: {  	[smem:$0x3FB7] =	sst s10  }
0x32: {  	s10 =	sld [smem:$0x3FB5];
	_ =	sdelay $0x3  }
0x33: {  	p0 =	seq.s32 s10, $0x1;
	s10 =	sld [smem:$0x3FB7];
	_ =	sdelay $0x3  }
0x34: {  	[smem:$0x3FB7] =	sst s10  }
0x35: {  	s10 =	sld [smem:$0x3FB6];
	_ =	sdelay $0x3  }
0x36: {  	p1 =	seq.s32 s10, $0x1;
	s10 =	sld [smem:$0x3FB7];
	_ =	sdelay $0x3  }
0x37: {  	[smem:$0x3FB7] =	sst s10  }
0x38: {  	s10 =	sld [smem:$0x3FB8]  }
0x39: {  	_ = 	snop;
	(pc) =	sbr.ind lr, $3  }
0x3a: {  	_ = 	snop  }
0x3b: {  	_ = 	snop  }
0x3c: {  	p2 =	seq.s32 s10, $0x1;
	s10 =	sld [smem:$0x3FB7]  }
0x3d: {  	_ =	shalt  }
0x3e: {  	_ =	shalt  }
0x3f: {  	_ =	shalt  }
0x40: {  	_ =	shalt  }
0x41: {  	_ =	shalt  }
0x42: {  	_ =	shalt  }
0x43: {  	_ =	shalt  }
0x44: {  	_ =	shalt  }
0x45: {  	_ =	shalt  }
0x46: {  	_ =	shalt  }
0x47: {  	_ =	shalt  }
0x48: {  	_ =	shalt  }
0x49: {  	_ =	shalt  }
0x4a: {  	_ =	shalt  }
0x4b: {  	_ =	shalt  }
0x4c: {  	_ =	shalt  }
0x4d: {  	_ =	shalt  }
0x4e: {  	_ =	shalt  }
0x4f: {  	_ =	shalt  }
0x50: {  	_ =	shalt  }
0x51: {  	_ =	shalt  }
0x52: {  	_ =	shalt  }
0x53: {  	_ =	shalt  }
0x54: {  	_ =	shalt  }
0x55: {  	_ =	shalt  }
0x56: {  	_ =	shalt  }
0x57: {  	_ =	shalt  }
0x58: {  	_ =	shalt  }
0x59: {  	_ =	shalt  }
0x5a: {  	_ =	shalt  }
0x5b: {  	_ =	shalt  }
0x5c: {  	_ =	shalt  }
0x5d: {  	_ =	shalt  }
0x5e: {  	_ =	shalt  }
0x5f: {  	_ =	shalt  }
0x60: {  	_ =	shalt  }
0x61: {  	_ =	shalt  }
0x62: {  	_ =	shalt  }
0x63: {  	_ =	shalt  }
0x64: {  	_ =	shalt  }
0x65: {  	_ =	shalt  }
0x66: {  	_ =	shalt  }
0x67: {  	_ =	shalt  }
0x68: {  	_ =	shalt  }
0x69: {  	_ =	shalt  }
0x6a: {  	_ =	shalt  }
0x6b: {  	_ =	shalt  }
0x6c: {  	_ =	shalt  }
0x6d: {  	_ =	shalt  }
0x6e: {  	_ =	shalt  }
0x6f: {  	_ =	shalt  }
0x70: {  	_ =	shalt  }
0x71: {  	_ =	shalt  }
0x72: {  	_ =	shalt  }
0x73: {  	_ =	shalt  }
0x74: {  	_ =	shalt  }
0x75: {  	_ =	shalt  }
0x76: {  	_ =	shalt  }
0x77: {  	_ =	shalt  }
0x78: {  	_ =	shalt  }
0x79: {  	_ =	shalt  }
0x7a: {  	_ =	shalt  }
0x7b: {  	_ =	shalt  }
0x7c: {  	_ =	shalt  }
0x7d: {  	_ =	shalt  }
0x7e: {  	_ =	shalt  }
0x7f: {  	_ =	shalt  }
0x80: {  	_ =	shalt  }
0x81: {  	_ =	shalt  }
0x82: {  	_ =	shalt  }
0x83: {  	_ =	shalt  }
0x84: {  	_ =	shalt  }
0x85: {  	_ =	shalt  }
0x86: {  	_ =	shalt  }
0x87: {  	_ =	shalt  }
.Lfunc_end0:
.L_simem_size_0:
called_computation.1_lowered:
.L_overlay_start_0:
0x88: {  	s2 =	sld [smem:$0x3FD9]  }
0x89: {  	s3 =	sld [smem:$0x3FFE];
	_ =	sdelay $0x1  }
0x8a: {  	s1 =	srdreg.scid  }
0x8b: {  	s0 =	sand.u32 $0x1, s1  }
0x8c: {  	s16 =	sshll.u32 s0, $0xA;
	s2 =	sadd.s32 s3, s2  }
0x8d: {  	s2 =	sadd.s32 s2, s16  }
0x8e: {  	[smem:$0x3FC3] =	sst s2  }
0x8f: {  	_ = 	snop  }
0x90: {  	(tm) =	ssettm $0x1  }
0x91: {  	s17 =	sld [smem:$0x3FFB];
	_ =	sdelay $0x3  }
0x92: {  	_ =	strace s17  }
0x93: {  	s2 =	sld [smem:$0x3FFC];
	_ =	sdelay $0x3  }
0x94: {  	_ =	strace s2  }
0x95: {  	s2 =	sld [smem:$0x3FFD];
	_ =	sdelay $0x3  }
0x96: {  	_ =	strace s2  }
0x97: {  	_ =	strace $0x8FFFFFFF  }
0x98: {  	s18 =	sld [smem:$0x3FDB];
	_ =	sdelay $0x1  }
0x99: {  	s19 =	simm.s32 $_scs_section_size  }
0x9a: {  	s4 =	simm.s32 $_size__tile_overlayer_lowered;
	s5 =	simm.s32 $_tile_overlayer_lowered  }
0x9b: {  	s22 =	simm.s32 $0x1BFF;
	s21 =	sshll.u32 s5, $0x1;
	s2 =	sadd.s32 s19, s18  }
0x9c: {  	s6 =	simm.s32 $0x0;
	s20 =	sshll.u32 s4, $0x1;
	s4 =	sadd.s32 s21, s2  }
0x9d: {  	[timem:s6], [sflag:s22] =	dma.local [hbm:s4], s20  }
0x9e: {  	_ =	swait.ge [sflag:s22], s20  }
0x9f: {  	s3 =	ssub.s32 $0x0, s20;
	[sflag:s22] =	ssyncset.done $0x0  }
0xa0: {  	[sflag:s22] =	ssyncadd.s32 s3;
	_ =	sdelay $0x1  }
0xa1: {  	s23 =	simm.s32 $0x1B8B  }
0xa2: {  	_ =	swait.ge [sflag:s23], $0x1  }
0xa3: {  	[sflag:s23] =	ssyncset.done $0x0  }
0xa4: {  	s25 =	simm.s32 $0x1B8E;
	s24 =	sld [smem:$0x3FFE];
	[sflag:s23] =	ssyncadd.s32 $0xFFFFFFFF  }
0xa5: {  	s26 =	simm.s32 $execute0_lowered;
	[smem:$0x3FD2] =	sst s25  }
0xa6: {  	s4 =	sshll.u32 s26, $0x1;
	_ =	strace $0x80000049;
	[dreg:$0x1] =	wrdreg $0xFFFFFFFF  }
0xa7: {  	s28 =	simm.s32 $_size_execute0_lowered;
	s2 =	sadd.s32 s2, s4;
	[dreg:$0x0] =	wrdreg $0x0  }
0xa8: {  	s4 =	sshll.u32 s28, $0x1;
	[dreg:$0x2] =	wrdreg s2  }
0xa9: {  	[dreg:$0x3] =	wrdreg s4  }
0xaa: {  	[dreg:$0x4] =	wrdreg $0xC0  }
0xab: {  	_ =	task [dreg:s6], $0x5FFFF  }
0xac: {  	[dreg:$0x1] =	wrdreg $0xFFFFFFFF  }
0xad: {  	[dreg:$0x0] =	wrdreg $0x60  }
0xae: {  	[dreg:$0x2] =	wrdreg s24  }
0xaf: {  	[dreg:$0x3] =	wrdreg $0x9  }
0xb0: {  	_ =	task.clear_ibuf [dreg:s6], $0x4FFFF;
	_ =	strace $0x90000049  }
0xb1: {  	s29 =	simm.s32 $0x9;
	_ =	strace $0x8000004B  }
0xb2: {  	_ =	swait.ge [sflag:s29], $0x1  }
0xb3: {  	[sflag:s29] =	ssyncadd.s32 $0xFFFFFFFF  }
0xb4: {  	_ =	strace $0x9000004B  }
0xb5: {  	_ =	sfence  }
0xb6: {  	s30 =	sld [smem:$0x0];
	_ =	sdelay $0x2  }
0xb7: {  	s31 =	sshll.u32 s1, $0xD;
	s1 =	sshrl.u32 s1, $0x2  }
0xb8: {  	s3 =	sand.u32 $0x4000, s31;
	s1 =	sadd.s32 s1, s30  }
0xb9: {  	s0 =	sor.u32 s3, s0;
	s1 =	sshll.u32 s1, $0x11  }
0xba: {  	s0 =	sor.u32 s1, s0  }
0xbb: {  	s0 =	sadd.s32 $0x8F2B, s0  }
0xbc: {  	[sflag:s0] =	ssyncadd.remote.s32 $0x1  }
0xbd: {  	_ =	sfence.sel $0xFFFF  }
0xbe: {  	[dreg:$0x0] =	wrdreg $0xFFFFFFFF;
	(pc) =	sbr.abs _section_cstart, $3  }
0xbf: {  	[dreg:$0x1] =	wrdreg $0xFFFFFFFF  }
0xc0: {  	_ =	task.clear_ibuf [dreg:s6], $0x2FFFF;
	_ =	strace $0x9FFFFFFF  }
0xc1: {  	(tm) =	ssettm $0x7FFFFFFF  }
tec
execute0_lowered:
.L_overlay_start_1:
0x0: {  	(tag) =	ssettag $0x1  }
0x1: {  	s1 =	srdreg.scid  }
0x2: {  	s0 =	stileid.u32;
	s4 =	rddreg [dreg:$0x0]  }
0x3: {  	s2 =	simm.s32 $0x0;
	s14 =	simm.s32 $0x1900;
	s15 =	simm.s32 $0x5900  }
0x4: {  	s16 =	simm.s32 $0x1;
	s17 =	simm.s32 $0x2;
	s18 =	simm.s32 $0x3  }
0x5: {  	s19 =	simm.s32 $0x4;
	s20 =	simm.s32 $0x0;
	s5 =	sand.u32 $0x1, s1  }
0x6: {  	s3 =	sshll.u32 s0, $0x1;
	s1 =	rddreg [dreg:$0x1];
	s8 =	smul.u32 $0xC8000, s0  }
0x7: {  	[smem:$0x7FF] =	sst s2;
	s6 =	sor.u32 s5, s3;
	s12 =	smul.u32 $0x64000, s5  }
0x8: {  	s10 =	sadd.s32 $0x98800, s4;
	s30 =	ssub.s32 $0x2, s5;
	s7 =	smul.u32 $0x190, s6  }
0x9: {  	s9 =	sadd.s32 $0x228800, s4;
	s6 =	smul.u32 $0x64000, s6;
	s11 =	sshrl.u32 s30, $0x1  }
0xa: {  	_ =	strace $0x8000004A;
	s3 =	sadd.s32 $0xE00, s4;
	s11 =	ssub.s32 s30, s11  }
0xb: {  	s12 =	sadd.s32 s12, s8;
	s7 =	sadd.s32 s7, s4;
	s6 =	sshrl.u32 s6, $0x3  }
0xc: {  	s8 =	smax.u32 s11, $0x1;
	s31 =	sshrl.u32 s12, $0x3;
	s11 =	simm.s32 $0x5  }
0xd: {  	s12 =	simm.s32 $0xC80;
	s4 =	sadd.s32 $0x95600, s7;
	s13 =	sadd.s32 $0xC000, s6  }
0xe: {  	s5 =	sadd.s32 $0x92400, s7;
	s6 =	sadd.s32 s10, s13;
	s7 =	sadd.s32 s9, s13  }
0xf: {  	s9 =	sadd.s32 s31, s9;
	s10 =	sadd.s32 s31, s10;
	s13 =	simm.s32 $0x80  }
.LBB2_1:
0x10: {  	[tilespmem:s2], [sflag:$0x5] =	stream.linear.gather [hbm4b:s4+s2], $0xC80, $0x38;
	[tilespmem:$0x9900] =	vst v63  }
0x11: {  	_ =	swait.ge [sflag:s11], $0xC80  }
0x12: {  	[sflag:s11] =	ssyncset.done $0x0  }
0x13: {  	[sflag:s11] =	ssyncadd.s32 $0xFFFFF380  }
0x14: {  	[tilespmem:s12], [sflag:$0x5] =	stream.linear.gather [hbm4b:s5+s2], $0xC80, $0x38;
	[tilespmem:$0x9900] =	vst v63  }
0x15: {  	_ =	swait.ge [sflag:s11], $0xC80  }
0x16: {  	[sflag:s11] =	ssyncset.done $0x0  }
0x17: {  	[sflag:s11] =	ssyncadd.s32 $0xFFFFF380  }
0x18: {  	[tilespmem:s14], [sflag:$0x1] =	stream.indirect.gather [hbm4b:s3+s13], $0x80, s2, s13, $0xb8;
	[tilespmem:$0x9900] =	vst v63  }
0x19: {  	_ = 	snop  }
0x1a: {  	[tilespmem:s15], [sflag:$0x2] =	stream.indirect.gather [hbm4b:s3+s13], $0x80, s12, s13, $0xb8;
	[tilespmem:$0x9900] =	vst v63  }
0x1b: {  	_ =	swait.ge [sflag:s16], $0x4000  }
0x1c: {  	[sflag:s16] =	ssyncset.done $0x0  }
0x1d: {  	[sflag:s16] =	ssyncadd.s32 $0xFFFFC000  }
0x1e: {  	[hbm4b:s10+s2] =	stream.linear.scatter [tilespmem:s14], [sflag:$0x3], $0x4000, $0x38;
	[tilespmem:$0x9900] =	vst v63  }
0x1f: {  	_ =	swait.ge [sflag:s17], $0x4000  }
0x20: {  	[sflag:s17] =	ssyncset.done $0x0  }
0x21: {  	[sflag:s17] =	ssyncadd.s32 $0xFFFFC000  }
0x22: {  	[hbm4b:s9+s2] =	stream.linear.scatter [tilespmem:s15], [sflag:$0x4], $0x4000, $0x38;
	[tilespmem:$0x9900] =	vst v63  }
0x23: {  	_ =	swait.ge [sflag:s18], $0x4000  }
0x24: {  	[sflag:s18] =	ssyncset.done $0x0  }
0x25: {  	s21 =	simm.s32 $0x80;
	[sflag:s18] =	ssyncadd.s32 $0xFFFFC000  }
0x26: {  	[tilespmem:s14], [sflag:$0x1] =	stream.indirect.gather [hbm4b:s3+s13], $0x80, s21, s13, $0xb8;
	[tilespmem:$0x9900] =	vst v63  }
0x27: {  	_ =	swait.ge [sflag:s19], $0x4000  }
0x28: {  	s22 =	sadd.s32 $0x800, s10;
	s24 =	simm.s32 $0xD00;
	[sflag:s19] =	ssyncset.done $0x0  }
0x29: {  	s23 =	sadd.s32 $0x800, s9;
	s21 =	simm.s32 $0x400;
	[sflag:s19] =	ssyncadd.s32 $0xFFFFC000  }
.LBB2_2:
0x2a: {  	[tilespmem:s15], [sflag:$0x2] =	stream.indirect.gather [hbm4b:s3+s13], $0x80, s24, s13, $0xb8;
	[tilespmem:$0x9900] =	vst v63  }
0x2b: {  	s24 =	smov.u32 s21  }
0x2c: {  	p0 =	sne.s32 s21, $0x3000;
	s21 =	sadd.s32 $0x200, s21;
	_ =	swait.ge [sflag:s16], $0x4000  }
0x2d: {  	[sflag:s16] =	ssyncset.done $0x0  }
0x2e: {  	[sflag:s16] =	ssyncadd.s32 $0xFFFFC000  }
0x2f: {  	[hbm4b:s22+s2] =	stream.linear.scatter [tilespmem:s14], [sflag:$0x3], $0x4000, $0x38;
	[tilespmem:$0x9900] =	vst v63  }
0x30: {  	_ =	swait.ge [sflag:s17], $0x4000  }
0x31: {  	[sflag:s17] =	ssyncset.done $0x0  }
0x32: {  	[sflag:s17] =	ssyncadd.s32 $0xFFFFC000  }
0x33: {  	[hbm4b:s23+s2] =	stream.linear.scatter [tilespmem:s15], [sflag:$0x4], $0x4000, $0x38;
	[tilespmem:$0x9900] =	vst v63  }
0x34: {  	_ =	swait.ge [sflag:s18], $0x4000  }
0x35: {  	[sflag:s18] =	ssyncset.done $0x0  }
.Ltmp0:
0x36: {  	s24 =	sshra.s32 s24, $0x2;
	[sflag:s18] =	ssyncadd.s32 $0xFFFFC000;
	(pc) =	sbr.rel @p0 .LBB2_2-.Ltmp0, $4  }
0x37: {  	[tilespmem:s14], [sflag:$0x1] =	stream.indirect.gather [hbm4b:s3+s13], $0x80, s24, s13, $0xb8;
	[tilespmem:$0x9900] =	vst v63  }
0x38: {  	_ =	swait.ge [sflag:s19], $0x4000  }
0x39: {  	s22 =	sadd.s32 $0x800, s22;
	[sflag:s19] =	ssyncset.done $0x0  }
0x3a: {  	s23 =	sadd.s32 $0x800, s23;
	s24 =	sadd.s32 $0xC80, s24;
	[sflag:s19] =	ssyncadd.s32 $0xFFFFC000  }
0x3b: {  	[tilespmem:s15], [sflag:$0x2] =	stream.indirect.gather [hbm4b:s3+s13], $0x80, s24, s13, $0xb8;
	[tilespmem:$0x9900] =	vst v63  }
0x3c: {  	_ =	swait.ge [sflag:s16], $0x4000  }
0x3d: {  	[sflag:s16] =	ssyncset.done $0x0  }
0x3e: {  	[sflag:s16] =	ssyncadd.s32 $0xFFFFC000  }
0x3f: {  	[hbm4b:s6+s2] =	stream.linear.scatter [tilespmem:s14], [sflag:$0x3], $0x4000, $0x38;
	[tilespmem:$0x9900] =	vst v63  }
0x40: {  	_ =	swait.ge [sflag:s17], $0x4000  }
0x41: {  	[sflag:s17] =	ssyncset.done $0x0  }
0x42: {  	s20 =	sadd.s32 $0x1, s20;
	[sflag:s17] =	ssyncadd.s32 $0xFFFFC000  }
0x43: {  	[hbm4b:s7+s2] =	stream.linear.scatter [tilespmem:s15], [sflag:$0x4], $0x4000, $0x38;
	[tilespmem:$0x9900] =	vst v63  }
0x44: {  	p0 =	sne.s32 s20, s8;
	_ =	swait.ge [sflag:s18], $0x4000  }
.Ltmp1:
0x45: {  	[sflag:s18] =	ssyncset.done $0x0;
	(pc) =	sbr.rel @p0 .LBB2_1-.Ltmp1, $4  }
0x46: {  	[sflag:s18] =	ssyncadd.s32 $0xFFFFC000  }
0x47: {  	_ =	swait.ge [sflag:s19], $0x4000  }
0x48: {  	[sflag:s19] =	ssyncset.done $0x0  }
0x49: {  	[sflag:s19] =	ssyncadd.s32 $0xFFFFC000  }
0x4a: {  	_ =	sfence.sel $0x180000  }
0x4b: {  	[bflag:$0x0] =	sbarrier.arrive $0xFFFF  }
0x4c: {  	p0 =	sne.s32 s0, $0x0;
	_ =	strace $0x9000004A  }
0x4d: {  	s0 =	sadd.s32 @!p0 $0x100000, s1;
	[bflag:$0x2] =	sbarrier.arrive $0xFFFF  }
0x4e: {  	[sflag:s0] =	ssyncadd.tile.s32 @!p0 $0x1;
	_ =	shalt  }
.Lfunc_end2:
_tile_overlayer_lowered:
.L_overlay_start_2:
0x4f: {  	(tag) =	ssettag $0x2  }
0x50: {  	s0 =	rddreg [dreg:$0x0];
	s2 =	stileid.u32  }
0x51: {  	s1 =	rddreg [dreg:$0x1];
	p0 =	sne.s32 s2, $0x0  }
0x52: {  	s3 =	rddreg [dreg:$0x2];
	[bflag:$0x3] =	sbarrier.arrive $0xFFFF;
	s2 =	simm.s32 @!p0 $0x1C05  }
0x53: {  	[timem:s3], [sflag:s2] =	dma.local @!p0 [hbm:s0], s1  }
0x54: {  	s0 =	simm.s32 @!p0 $0x5  }
0x55: {  	_ =	swait.ge @!p0 [sflag:s0], s1  }
0x56: {  	s1 =	ssub.s32 @!p0 $0x0, s1;
	[sflag:s0] =	ssyncset.done @!p0 $0x0  }
0x57: {  	[sflag:s0] =	ssyncadd.s32 @!p0 s1  }
0x58: {  	[bflag:$0x3] =	sbarrier.arrive $0xFFFF  }
0x59: {  	_ =	shalt  }

</sc_bundles>
